<compile_context>
chip_gen: v7x
topology: tpu7x:2x2x1
jax: 0.10.2.dev20260603
libtpu: 0.0.44.dev20260713+nightly
codegen_flags: <defaults>
</compile_context>

<pallas_src>
import functools

import jax
import jax.numpy as jnp
from jax import lax
from jax.experimental import pallas as pl
from jax.experimental.pallas import tpu as pltpu
from jax.experimental.pallas import tpu_sc as plsc

ROWS, COLS = 16384, 200
VOCAB = 30
EMBED = 128
N_TOTAL = ROWS * COLS
NC, NS = 2, 16
NW = NC * NS
R_PER_W = ROWS // NW
SPLIT = 128
NBUF = 4
IB = 16
N_IB = R_PER_W // IB

_mesh = plsc.VectorSubcoreMesh(core_axis_name="c", subcore_axis_name="s")


@functools.partial(
    pl.kernel,
    out_type=jax.ShapeDtypeStruct((N_TOTAL, EMBED), jnp.float32),
    mesh=_mesh,
    scratch_types=[
        pltpu.VMEM_SHARED((VOCAB, EMBED), jnp.float32),
        pltpu.VMEM((2, IB, COLS), jnp.int32),
        pltpu.VMEM((NBUF, COLS, EMBED), jnp.float32),
        pltpu.SemaphoreType.DMA,
        pltpu.SemaphoreType.DMA,
        pltpu.SemaphoreType.DMA,
        pltpu.SemaphoreType.DMA,
        pltpu.SemaphoreType.DMA,
        pltpu.SemaphoreType.DMA,
        pltpu.SemaphoreType.DMA,
        pltpu.SemaphoreType.DMA,
        pltpu.SemaphoreType.DMA,
    ],
)
def _embed_sc(idx_hbm, table_hbm, out_hbm, table_sp, idx_v, rows_v,
              isem, gsem0, gsem1, gsem2, gsem3, ssem0, ssem1, ssem2, ssem3):
    cid = lax.axis_index("c")
    sid = lax.axis_index("s")
    wid = sid * NC + cid
    row_base = wid * R_PER_W
    gsem = (gsem0, gsem1, gsem2, gsem3)
    ssem = (ssem0, ssem1, ssem2, ssem3)

    @pl.when(sid == 0)
    def _():
        pltpu.sync_copy(table_hbm, table_sp)

    plsc.subcore_barrier()

    def _wait_store(b):
        pltpu.make_async_copy(
            rows_v.at[b], out_hbm.at[pl.ds(row_base * COLS, COLS)],
            ssem[b]).wait()

    pltpu.async_copy(idx_hbm.at[pl.ds(row_base, IB)], idx_v.at[0], isem)

    def blk_body(ib, carry):
        cur = lax.rem(ib, 2)
        pltpu.make_async_copy(
            idx_hbm.at[pl.ds(row_base, IB)], idx_v.at[cur], isem).wait()

        out_base = (row_base + ib * IB) * COLS

        g_descs = [None] * NBUF
        for s in range(IB):
            b = s % NBUF
            if s >= NBUF:
                _wait_store(b)
            else:
                @pl.when(ib >= 1)
                def _(b=b):
                    _wait_store(b)
            g_descs[b] = [
                pltpu.async_copy(
                    table_sp.at[idx_v.at[cur, s, pl.ds(off, ln)]],
                    rows_v.at[b, pl.ds(off, ln)], gsem[b])
                for off, ln in ((0, SPLIT), (SPLIT, COLS - SPLIT))
            ]
            if s > 0:
                pb = (s - 1) % NBUF
                for d in g_descs[pb]:
                    d.wait()
                pltpu.async_copy(
                    rows_v.at[pb],
                    out_hbm.at[pl.ds(out_base + (s - 1) * COLS, COLS)],
                    ssem[pb])
        lb = (IB - 1) % NBUF
        for d in g_descs[lb]:
            d.wait()
        pltpu.async_copy(
            rows_v.at[lb],
            out_hbm.at[pl.ds(out_base + (IB - 1) * COLS, COLS)],
            ssem[lb])

        @pl.when(ib < N_IB - 1)
        def _():
            pltpu.async_copy(
                idx_hbm.at[pl.ds(row_base + (ib + 1) * IB, IB)],
                idx_v.at[1 - cur], isem)

        return carry

    lax.fori_loop(0, N_IB, blk_body, 0)

    for b in range(NBUF):
        _wait_store(b)


def kernel(inputs, table):
    out = _embed_sc(inputs.astype(jnp.int32), table)
    return out.reshape(ROWS, COLS, EMBED)

# --- scband reference (transcript-rebuilt; emitter-appended) ---
"""Pipeline reference for scband-sample-model-25271587570030 (READ-ONLY COPY).

The authoritative reference and input builder live on the scoring server;
editing this copy changes nothing except your own understanding.
"""

import jax, jax.numpy as jnp
import numpy as np

VOCAB = 30
EMBED_DIM = 128

def setup_inputs(seed: int = 0) -> dict:
    key = jax.random.key(seed)
    k_idx, k_tab = jax.random.split(key)
    inputs = jax.random.randint(k_idx, (16384, 200), 0, VOCAB, dtype=jnp.int64 if jax.config.jax_enable_x64 else jnp.int32)
    # Keras Embedding default initializer is uniform(-0.05, 0.05)
    table = jax.random.uniform(k_tab, (VOCAB, EMBED_DIM), dtype=jnp.float32, minval=-0.05, maxval=0.05)
    return {"inputs": inputs, "table": table}

def reference(inputs, table):
    # tf.keras.layers.Embedding: gather rows of the table by index
    return jnp.take(table, inputs, axis=0)

if __name__ == "__main__":
    import jax
    _d = setup_inputs()
    print(jax.jit(kernel)(*tuple(_d.values())))

</pallas_src>

<mosaic_0001>
#map = affine_map<(d0, d1) -> (0, 0)>
module attributes {stable_mosaic.version = 14 : i64} {
  func.func @_embed_sc(%arg0: i32, %arg1: i32, %arg2: memref<16384x200xi32, #tpu.memory_space<hbm>>, %arg3: memref<30x128xf32, #tpu.memory_space<hbm>>, %arg4: memref<3276800x128xf32, #tpu.memory_space<hbm>>, %arg5: memref<30x128xf32, #tpu.memory_space<vmem_shared>>, %arg6: memref<2x16x200xi32, #tpu.memory_space<vmem>>, %arg7: memref<4x200x128xf32, #tpu.memory_space<vmem>>, %arg8: memref<!tpu.dma_semaphore, #tpu.memory_space<semaphore_mem>>, %arg9: memref<!tpu.dma_semaphore, #tpu.memory_space<semaphore_mem>>, %arg10: memref<!tpu.dma_semaphore, #tpu.memory_space<semaphore_mem>>, %arg11: memref<!tpu.dma_semaphore, #tpu.memory_space<semaphore_mem>>, %arg12: memref<!tpu.dma_semaphore, #tpu.memory_space<semaphore_mem>>, %arg13: memref<!tpu.dma_semaphore, #tpu.memory_space<semaphore_mem>>, %arg14: memref<!tpu.dma_semaphore, #tpu.memory_space<semaphore_mem>>, %arg15: memref<!tpu.dma_semaphore, #tpu.memory_space<semaphore_mem>>, %arg16: memref<!tpu.dma_semaphore, #tpu.memory_space<semaphore_mem>>) attributes {dimension_semantics = [#tpu.dimension_semantics<core_parallel>, #tpu.dimension_semantics<subcore_parallel>], iteration_bounds = array<i64: 2, 16>, scalar_prefetch = 0 : i64, scratch_operands = 12 : i64, tpu.core_type = #tpu.core_type<sc_vector_subcore>, window_params = [{transform_indices = #map}, {transform_indices = #map}, {transform_indices = #map}]} {
    %mul3A = arith.constant 2 : i32
    %mul3A_0 = arith.muli %arg1, %mul3A : i32
    %add3A = arith.addi %mul3A_0, %arg0 : i32
    %mul3A_1 = arith.constant 512 : i32
    %mul3A_2 = arith.muli %add3A, %mul3A_1 : i32
    %eq3A = arith.constant 0 : i32
    %eq3A_3 = arith.cmpi eq, %arg1, %eq3A : i32
    %convert_element_type3A = arith.extui %eq3A_3 : i1 to i32
    %cond3A = arith.constant 0 : i32
    %cond3A_4 = arith.cmpi ne, %convert_element_type3A, %cond3A : i32
    scf.if %cond3A_4 {
      "tpu.region"() ({
        %run_scoped3A = tpu.sem_alloc : memref<!tpu.dma_semaphore, #tpu.memory_space<semaphore_mem>>
        tpu.enqueue_dma source(%arg3 : memref<30x128xf32, #tpu.memory_space<hbm>>) target(%arg5 : memref<30x128xf32, #tpu.memory_space<vmem_shared>>) target_semaphore(%run_scoped3A : memref<!tpu.dma_semaphore, #tpu.memory_space<semaphore_mem>>)
        tpu.wait_dma2 semaphore(%run_scoped3A : memref<!tpu.dma_semaphore, #tpu.memory_space<semaphore_mem>>) src(%arg3 : memref<30x128xf32, #tpu.memory_space<hbm>>) dst(%arg5 : memref<30x128xf32, #tpu.memory_space<vmem_shared>>)
        tpu.yield
      }) : () -> ()
    } else {
    }
    %barrier3A = arith.constant 0 : index
    tpu.barrier barrier_id(%barrier3A)
    %dma_start3A = arith.constant 0 : i32
    %dma_start3A_5 = arith.constant 0 : i32
    %dma_start3A_6 = arith.constant 0 : i32
    %dma_start3A_7 = tpu.memref_slice %arg6[%dma_start3A, %dma_start3A_5, %dma_start3A_6] : memref<2x16x200xi32, #tpu.memory_space<vmem>> -> memref<1x16x200xi32, #tpu.memory_space<vmem>>
    %dma_start3A_8 = tpu.memref_squeeze %dma_start3A_7 : memref<1x16x200xi32, #tpu.memory_space<vmem>> -> memref<16x200xi32, #tpu.memory_space<vmem>>
    %dma_start3A_9 = arith.constant 0 : i32
    %dma_start3A_10 = tpu.memref_slice %arg2[%mul3A_2, %dma_start3A_9] : memref<16384x200xi32, #tpu.memory_space<hbm>> -> memref<16x200xi32, #tpu.memory_space<hbm>>
    %dma_start3A_11 = arith.constant 0 : i32
    %dma_start3A_12 = arith.constant 0 : i32
    %dma_start3A_13 = tpu.memref_slice %arg6[%dma_start3A, %dma_start3A_11, %dma_start3A_12] : memref<2x16x200xi32, #tpu.memory_space<vmem>> -> memref<1x16x200xi32, #tpu.memory_space<vmem>>
    %dma_start3A_14 = tpu.memref_squeeze %dma_start3A_13 : memref<1x16x200xi32, #tpu.memory_space<vmem>> -> memref<16x200xi32, #tpu.memory_space<vmem>>
    %dma_start3A_15 = arith.constant 0 : i32
    %dma_start3A_16 = tpu.memref_slice %arg2[%mul3A_2, %dma_start3A_15] : memref<16384x200xi32, #tpu.memory_space<hbm>> -> memref<16x200xi32, #tpu.memory_space<hbm>>
    tpu.enqueue_dma source(%dma_start3A_16 : memref<16x200xi32, #tpu.memory_space<hbm>>) target(%dma_start3A_14 : memref<16x200xi32, #tpu.memory_space<vmem>>) target_semaphore(%arg8 : memref<!tpu.dma_semaphore, #tpu.memory_space<semaphore_mem>>)
    %scan3A = arith.constant 0 : i32
    %scan3A_17 = arith.constant 0 : i32
    %scan3A_18 = arith.constant 32 : i32
    %scan3A_19 = arith.addi %scan3A_17, %scan3A_18 : i32
    %scan3A_20 = arith.constant 1 : i32
    scf.for %scan3A_81 = %scan3A_17 to %scan3A_19 step %scan3A_20  : i32 {
      %rem3A = arith.constant 2 : i32
      %rem3A_82 = arith.remsi %scan3A_81, %rem3A : i32
      %dma_wait3A_83 = arith.constant 0 : i32
      %dma_wait3A_84 = arith.constant 0 : i32
      %dma_wait3A_85 = tpu.memref_slice %arg6[%rem3A_82, %dma_wait3A_83, %dma_wait3A_84] : memref<2x16x200xi32, #tpu.memory_space<vmem>> -> memref<1x16x200xi32, #tpu.memory_space<vmem>>
      %dma_wait3A_86 = tpu.memref_squeeze %dma_wait3A_85 : memref<1x16x200xi32, #tpu.memory_space<vmem>> -> memref<16x200xi32, #tpu.memory_space<vmem>>
      %dma_wait3A_87 = arith.constant 0 : i32
      %dma_wait3A_88 = tpu.memref_slice %arg2[%mul3A_2, %dma_wait3A_87] : memref<16384x200xi32, #tpu.memory_space<hbm>> -> memref<16x200xi32, #tpu.memory_space<hbm>>
      %dma_wait3A_89 = arith.constant 0 : i32
      %dma_wait3A_90 = arith.constant 0 : i32
      %dma_wait3A_91 = tpu.memref_slice %arg6[%rem3A_82, %dma_wait3A_89, %dma_wait3A_90] : memref<2x16x200xi32, #tpu.memory_space<vmem>> -> memref<1x16x200xi32, #tpu.memory_space<vmem>>
      %dma_wait3A_92 = tpu.memref_squeeze %dma_wait3A_91 : memref<1x16x200xi32, #tpu.memory_space<vmem>> -> memref<16x200xi32, #tpu.memory_space<vmem>>
      %dma_wait3A_93 = arith.constant 0 : i32
      %dma_wait3A_94 = tpu.memref_slice %arg2[%mul3A_2, %dma_wait3A_93] : memref<16384x200xi32, #tpu.memory_space<hbm>> -> memref<16x200xi32, #tpu.memory_space<hbm>>
      tpu.wait_dma2 semaphore(%arg8 : memref<!tpu.dma_semaphore, #tpu.memory_space<semaphore_mem>>) src(%dma_wait3A_94 : memref<16x200xi32, #tpu.memory_space<hbm>>) dst(%dma_wait3A_92 : memref<16x200xi32, #tpu.memory_space<vmem>>)
      %mul3A_95 = arith.constant 16 : i32
      %mul3A_96 = arith.muli %scan3A_81, %mul3A_95 : i32
      %add3A_97 = arith.addi %mul3A_2, %mul3A_96 : i32
      %mul3A_98 = arith.constant 200 : i32
      %mul3A_99 = arith.muli %add3A_97, %mul3A_98 : i32
      %ge3A = arith.constant 1 : i32
      %ge3A_100 = arith.cmpi sge, %scan3A_81, %ge3A : i32
      %convert_element_type3A_101 = arith.extui %ge3A_100 : i1 to i32
      %cond3A_102 = arith.constant 0 : i32
      %cond3A_103 = arith.cmpi ne, %convert_element_type3A_101, %cond3A_102 : i32
      scf.if %cond3A_103 {
        %mul3A_1311 = arith.constant 200 : i32
        %mul3A_1312 = arith.muli %mul3A_2, %mul3A_1311 : i32
        %dma_wait3A_1313 = arith.constant 0 : i32
        %dma_wait3A_1314 = arith.constant 0 : i32
        %dma_wait3A_1315 = arith.constant 0 : i32
        %dma_wait3A_1316 = tpu.memref_slice %arg7[%dma_wait3A_1313, %dma_wait3A_1314, %dma_wait3A_1315] : memref<4x200x128xf32, #tpu.memory_space<vmem>> -> memref<1x200x128xf32, #tpu.memory_space<vmem>>
        %dma_wait3A_1317 = tpu.memref_squeeze %dma_wait3A_1316 : memref<1x200x128xf32, #tpu.memory_space<vmem>> -> memref<200x128xf32, #tpu.memory_space<vmem>>
        %dma_wait3A_1318 = arith.constant 0 : i32
        %dma_wait3A_1319 = tpu.memref_slice %arg4[%mul3A_1312, %dma_wait3A_1318] : memref<3276800x128xf32, #tpu.memory_space<hbm>> -> memref<200x128xf32, #tpu.memory_space<hbm>>
        %dma_wait3A_1320 = arith.constant 0 : i32
        %dma_wait3A_1321 = tpu.memref_slice %arg4[%mul3A_1312, %dma_wait3A_1320] : memref<3276800x128xf32, #tpu.memory_space<hbm>> -> memref<200x128xf32, #tpu.memory_space<hbm>>
        %dma_wait3A_1322 = arith.constant 0 : i32
        %dma_wait3A_1323 = arith.constant 0 : i32
        %dma_wait3A_1324 = tpu.memref_slice %arg7[%dma_wait3A_1313, %dma_wait3A_1322, %dma_wait3A_1323] : memref<4x200x128xf32, #tpu.memory_space<vmem>> -> memref<1x200x128xf32, #tpu.memory_space<vmem>>
        %dma_wait3A_1325 = tpu.memref_squeeze %dma_wait3A_1324 : memref<1x200x128xf32, #tpu.memory_space<vmem>> -> memref<200x128xf32, #tpu.memory_space<vmem>>
        tpu.wait_dma2 semaphore(%arg13 : memref<!tpu.dma_semaphore, #tpu.memory_space<semaphore_mem>>) src(%dma_wait3A_1325 : memref<200x128xf32, #tpu.memory_space<vmem>>) dst(%dma_wait3A_1321 : memref<200x128xf32, #tpu.memory_space<hbm>>)
      } else {
      }
      %dma_start3A_104 = arith.constant 0 : i32
      %dma_start3A_105 = arith.constant 0 : i32
      %dma_start3A_106 = arith.constant 0 : i32
      %dma_start3A_107 = arith.constant 0 : i32
      %dma_start3A_108 = tpu.memref_slice %arg7[%dma_start3A_105, %dma_start3A_106, %dma_start3A_107] : memref<4x200x128xf32, #tpu.memory_space<vmem>> -> memref<1x128x128xf32, #tpu.memory_space<vmem>>
      %dma_start3A_109 = tpu.memref_squeeze %dma_start3A_108 : memref<1x128x128xf32, #tpu.memory_space<vmem>> -> memref<128x128xf32, #tpu.memory_space<vmem>>
      %dma_start3A_110 = arith.constant 0 : i32
      %dma_start3A_111 = tpu.memref_slice %arg6[%rem3A_82, %dma_start3A_104, %dma_start3A_110] : memref<2x16x200xi32, #tpu.memory_space<vmem>> -> memref<1x1x128xi32, #tpu.memory_space<vmem>>
      %dma_start3A_112 = tpu.memref_squeeze %dma_start3A_111 : memref<1x1x128xi32, #tpu.memory_space<vmem>> -> memref<128xi32, #tpu.memory_space<vmem>>
      %dma_start3A_113 = arith.constant 0 : i32
      %dma_start3A_114 = arith.constant 0 : i32
      %dma_start3A_115 = tpu.memref_slice %arg5[%dma_start3A_113, %dma_start3A_114] : memref<30x128xf32, #tpu.memory_space<vmem_shared>> -> memref<30x128xf32, #tpu.memory_space<vmem_shared>>
      tpu.enqueue_indirect_dma source(%dma_start3A_115 : memref<30x128xf32, #tpu.memory_space<vmem_shared>>) target(%dma_start3A_109 : memref<128x128xf32, #tpu.memory_space<vmem>>) offsets(%dma_start3A_112 : memref<128xi32, #tpu.memory_space<vmem>>) semaphore(%arg9 : memref<!tpu.dma_semaphore, #tpu.memory_space<semaphore_mem>>)
      %dma_start3A_116 = arith.constant 0 : i32
      %dma_start3A_117 = arith.constant 0 : i32
      %dma_start3A_118 = arith.constant 128 : i32
      %dma_start3A_119 = arith.constant 0 : i32
      %dma_start3A_120 = tpu.memref_slice %arg7[%dma_start3A_117, %dma_start3A_118, %dma_start3A_119] : memref<4x200x128xf32, #tpu.memory_space<vmem>> -> memref<1x72x128xf32, #tpu.memory_space<vmem>>
      %dma_start3A_121 = tpu.memref_squeeze %dma_start3A_120 : memref<1x72x128xf32, #tpu.memory_space<vmem>> -> memref<72x128xf32, #tpu.memory_space<vmem>>
      %dma_start3A_122 = arith.constant 128 : i32
      %dma_start3A_123 = tpu.memref_slice %arg6[%rem3A_82, %dma_start3A_116, %dma_start3A_122] : memref<2x16x200xi32, #tpu.memory_space<vmem>> -> memref<1x1x72xi32, #tpu.memory_space<vmem>>
      %dma_start3A_124 = tpu.memref_squeeze %dma_start3A_123 : memref<1x1x72xi32, #tpu.memory_space<vmem>> -> memref<72xi32, #tpu.memory_space<vmem>>
      %dma_start3A_125 = arith.constant 0 : i32
      %dma_start3A_126 = arith.constant 0 : i32
      %dma_start3A_127 = tpu.memref_slice %arg5[%dma_start3A_125, %dma_start3A_126] : memref<30x128xf32, #tpu.memory_space<vmem_shared>> -> memref<30x128xf32, #tpu.memory_space<vmem_shared>>
      tpu.enqueue_indirect_dma source(%dma_start3A_127 : memref<30x128xf32, #tpu.memory_space<vmem_shared>>) target(%dma_start3A_121 : memref<72x128xf32, #tpu.memory_space<vmem>>) offsets(%dma_start3A_124 : memref<72xi32, #tpu.memory_space<vmem>>) semaphore(%arg9 : memref<!tpu.dma_semaphore, #tpu.memory_space<semaphore_mem>>)
      %ge3A_128 = arith.constant 1 : i32
      %ge3A_129 = arith.cmpi sge, %scan3A_81, %ge3A_128 : i32
      %convert_element_type3A_130 = arith.extui %ge3A_129 : i1 to i32
      %cond3A_131 = arith.constant 0 : i32
      %cond3A_132 = arith.cmpi ne, %convert_element_type3A_130, %cond3A_131 : i32
      scf.if %cond3A_132 {
        %mul3A_1311 = arith.constant 200 : i32
        %mul3A_1312 = arith.muli %mul3A_2, %mul3A_1311 : i32
        %dma_wait3A_1313 = arith.constant 1 : i32
        %dma_wait3A_1314 = arith.constant 0 : i32
        %dma_wait3A_1315 = arith.constant 0 : i32
        %dma_wait3A_1316 = tpu.memref_slice %arg7[%dma_wait3A_1313, %dma_wait3A_1314, %dma_wait3A_1315] : memref<4x200x128xf32, #tpu.memory_space<vmem>> -> memref<1x200x128xf32, #tpu.memory_space<vmem>>
        %dma_wait3A_1317 = tpu.memref_squeeze %dma_wait3A_1316 : memref<1x200x128xf32, #tpu.memory_space<vmem>> -> memref<200x128xf32, #tpu.memory_space<vmem>>
        %dma_wait3A_1318 = arith.constant 0 : i32
        %dma_wait3A_1319 = tpu.memref_slice %arg4[%mul3A_1312, %dma_wait3A_1318] : memref<3276800x128xf32, #tpu.memory_space<hbm>> -> memref<200x128xf32, #tpu.memory_space<hbm>>
        %dma_wait3A_1320 = arith.constant 0 : i32
        %dma_wait3A_1321 = tpu.memref_slice %arg4[%mul3A_1312, %dma_wait3A_1320] : memref<3276800x128xf32, #tpu.memory_space<hbm>> -> memref<200x128xf32, #tpu.memory_space<hbm>>
        %dma_wait3A_1322 = arith.constant 0 : i32
        %dma_wait3A_1323 = arith.constant 0 : i32
        %dma_wait3A_1324 = tpu.memref_slice %arg7[%dma_wait3A_1313, %dma_wait3A_1322, %dma_wait3A_1323] : memref<4x200x128xf32, #tpu.memory_space<vmem>> -> memref<1x200x128xf32, #tpu.memory_space<vmem>>
        %dma_wait3A_1325 = tpu.memref_squeeze %dma_wait3A_1324 : memref<1x200x128xf32, #tpu.memory_space<vmem>> -> memref<200x128xf32, #tpu.memory_space<vmem>>
        tpu.wait_dma2 semaphore(%arg14 : memref<!tpu.dma_semaphore, #tpu.memory_space<semaphore_mem>>) src(%dma_wait3A_1325 : memref<200x128xf32, #tpu.memory_space<vmem>>) dst(%dma_wait3A_1321 : memref<200x128xf32, #tpu.memory_space<hbm>>)
      } else {
      }
      %dma_start3A_133 = arith.constant 1 : i32
      %dma_start3A_134 = arith.constant 1 : i32
      %dma_start3A_135 = arith.constant 0 : i32
      %dma_start3A_136 = arith.constant 0 : i32
      %dma_start3A_137 = tpu.memref_slice %arg7[%dma_start3A_134, %dma_start3A_135, %dma_start3A_136] : memref<4x200x128xf32, #tpu.memory_space<vmem>> -> memref<1x128x128xf32, #tpu.memory_space<vmem>>
      %dma_start3A_138 = tpu.memref_squeeze %dma_start3A_137 : memref<1x128x128xf32, #tpu.memory_space<vmem>> -> memref<128x128xf32, #tpu.memory_space<vmem>>
      %dma_start3A_139 = arith.constant 0 : i32
      %dma_start3A_140 = tpu.memref_slice %arg6[%rem3A_82, %dma_start3A_133, %dma_start3A_139] : memref<2x16x200xi32, #tpu.memory_space<vmem>> -> memref<1x1x128xi32, #tpu.memory_space<vmem>>
      %dma_start3A_141 = tpu.memref_squeeze %dma_start3A_140 : memref<1x1x128xi32, #tpu.memory_space<vmem>> -> memref<128xi32, #tpu.memory_space<vmem>>
      %dma_start3A_142 = arith.constant 0 : i32
      %dma_start3A_143 = arith.constant 0 : i32
      %dma_start3A_144 = tpu.memref_slice %arg5[%dma_start3A_142, %dma_start3A_143] : memref<30x128xf32, #tpu.memory_space<vmem_shared>> -> memref<30x128xf32, #tpu.memory_space<vmem_shared>>
      tpu.enqueue_indirect_dma source(%dma_start3A_144 : memref<30x128xf32, #tpu.memory_space<vmem_shared>>) target(%dma_start3A_138 : memref<128x128xf32, #tpu.memory_space<vmem>>) offsets(%dma_start3A_141 : memref<128xi32, #tpu.memory_space<vmem>>) semaphore(%arg10 : memref<!tpu.dma_semaphore, #tpu.memory_space<semaphore_mem>>)
      %dma_start3A_145 = arith.constant 1 : i32
      %dma_start3A_146 = arith.constant 1 : i32
      %dma_start3A_147 = arith.constant 128 : i32
      %dma_start3A_148 = arith.constant 0 : i32
      %dma_start3A_149 = tpu.memref_slice %arg7[%dma_start3A_146, %dma_start3A_147, %dma_start3A_148] : memref<4x200x128xf32, #tpu.memory_space<vmem>> -> memref<1x72x128xf32, #tpu.memory_space<vmem>>
      %dma_start3A_150 = tpu.memref_squeeze %dma_start3A_149 : memref<1x72x128xf32, #tpu.memory_space<vmem>> -> memref<72x128xf32, #tpu.memory_space<vmem>>
      %dma_start3A_151 = arith.constant 128 : i32
      %dma_start3A_152 = tpu.memref_slice %arg6[%rem3A_82, %dma_start3A_145, %dma_start3A_151] : memref<2x16x200xi32, #tpu.memory_space<vmem>> -> memref<1x1x72xi32, #tpu.memory_space<vmem>>
      %dma_start3A_153 = tpu.memref_squeeze %dma_start3A_152 : memref<1x1x72xi32, #tpu.memory_space<vmem>> -> memref<72xi32, #tpu.memory_space<vmem>>
      %dma_start3A_154 = arith.constant 0 : i32
      %dma_start3A_155 = arith.constant 0 : i32
      %dma_start3A_156 = tpu.memref_slice %arg5[%dma_start3A_154, %dma_start3A_155] : memref<30x128xf32, #tpu.memory_space<vmem_shared>> -> memref<30x128xf32, #tpu.memory_space<vmem_shared>>
      tpu.enqueue_indirect_dma source(%dma_start3A_156 : memref<30x128xf32, #tpu.memory_space<vmem_shared>>) target(%dma_start3A_150 : memref<72x128xf32, #tpu.memory_space<vmem>>) offsets(%dma_start3A_153 : memref<72xi32, #tpu.memory_space<vmem>>) semaphore(%arg10 : memref<!tpu.dma_semaphore, #tpu.memory_space<semaphore_mem>>)
      %dma_wait3A_157 = arith.constant 0 : i32
      %dma_wait3A_158 = arith.constant 0 : i32
      %dma_wait3A_159 = arith.constant 0 : i32
      %dma_wait3A_160 = arith.constant 0 : i32
      %dma_wait3A_161 = tpu.memref_slice %arg7[%dma_wait3A_158, %dma_wait3A_159, %dma_wait3A_160] : memref<4x200x128xf32, #tpu.memory_space<vmem>> -> memref<1x128x128xf32, #tpu.memory_space<vmem>>
      %dma_wait3A_162 = tpu.memref_squeeze %dma_wait3A_161 : memref<1x128x128xf32, #tpu.memory_space<vmem>> -> memref<128x128xf32, #tpu.memory_space<vmem>>
      %dma_wait3A_163 = arith.constant 0 : i32
      %dma_wait3A_164 = tpu.memref_slice %arg6[%rem3A_82, %dma_wait3A_157, %dma_wait3A_163] : memref<2x16x200xi32, #tpu.memory_space<vmem>> -> memref<1x1x128xi32, #tpu.memory_space<vmem>>
      %dma_wait3A_165 = tpu.memref_squeeze %dma_wait3A_164 : memref<1x1x128xi32, #tpu.memory_space<vmem>> -> memref<128xi32, #tpu.memory_space<vmem>>
      %dma_wait3A_166 = arith.constant 0 : i32
      %dma_wait3A_167 = arith.constant 0 : i32
      %dma_wait3A_168 = tpu.memref_slice %arg5[%dma_wait3A_166, %dma_wait3A_167] : memref<30x128xf32, #tpu.memory_space<vmem_shared>> -> memref<30x128xf32, #tpu.memory_space<vmem_shared>>
      tpu.wait_indirect_dma semaphore(%arg9 : memref<!tpu.dma_semaphore, #tpu.memory_space<semaphore_mem>>) src(%dma_wait3A_168 : memref<30x128xf32, #tpu.memory_space<vmem_shared>>) dst(%dma_wait3A_162 : memref<128x128xf32, #tpu.memory_space<vmem>>)
      %dma_wait3A_169 = arith.constant 0 : i32
      %dma_wait3A_170 = arith.constant 0 : i32
      %dma_wait3A_171 = arith.constant 128 : i32
      %dma_wait3A_172 = arith.constant 0 : i32
      %dma_wait3A_173 = tpu.memref_slice %arg7[%dma_wait3A_170, %dma_wait3A_171, %dma_wait3A_172] : memref<4x200x128xf32, #tpu.memory_space<vmem>> -> memref<1x72x128xf32, #tpu.memory_space<vmem>>
      %dma_wait3A_174 = tpu.memref_squeeze %dma_wait3A_173 : memref<1x72x128xf32, #tpu.memory_space<vmem>> -> memref<72x128xf32, #tpu.memory_space<vmem>>
      %dma_wait3A_175 = arith.constant 128 : i32
      %dma_wait3A_176 = tpu.memref_slice %arg6[%rem3A_82, %dma_wait3A_169, %dma_wait3A_175] : memref<2x16x200xi32, #tpu.memory_space<vmem>> -> memref<1x1x72xi32, #tpu.memory_space<vmem>>
      %dma_wait3A_177 = tpu.memref_squeeze %dma_wait3A_176 : memref<1x1x72xi32, #tpu.memory_space<vmem>> -> memref<72xi32, #tpu.memory_space<vmem>>
      %dma_wait3A_178 = arith.constant 0 : i32
      %dma_wait3A_179 = arith.constant 0 : i32
      %dma_wait3A_180 = tpu.memref_slice %arg5[%dma_wait3A_178, %dma_wait3A_179] : memref<30x128xf32, #tpu.memory_space<vmem_shared>> -> memref<30x128xf32, #tpu.memory_space<vmem_shared>>
      tpu.wait_indirect_dma semaphore(%arg9 : memref<!tpu.dma_semaphore, #tpu.memory_space<semaphore_mem>>) src(%dma_wait3A_180 : memref<30x128xf32, #tpu.memory_space<vmem_shared>>) dst(%dma_wait3A_174 : memref<72x128xf32, #tpu.memory_space<vmem>>)
      %add3A_181 = arith.constant 0 : i32
      %add3A_182 = arith.addi %mul3A_99, %add3A_181 : i32
      %dma_start3A_183 = arith.constant 0 : i32
      %dma_start3A_184 = arith.constant 0 : i32
      %dma_start3A_185 = arith.constant 0 : i32
      %dma_start3A_186 = tpu.memref_slice %arg7[%dma_start3A_183, %dma_start3A_184, %dma_start3A_185] : memref<4x200x128xf32, #tpu.memory_space<vmem>> -> memref<1x200x128xf32, #tpu.memory_space<vmem>>
      %dma_start3A_187 = tpu.memref_squeeze %dma_start3A_186 : memref<1x200x128xf32, #tpu.memory_space<vmem>> -> memref<200x128xf32, #tpu.memory_space<vmem>>
      %dma_start3A_188 = arith.constant 0 : i32
      %dma_start3A_189 = tpu.memref_slice %arg4[%add3A_182, %dma_start3A_188] : memref<3276800x128xf32, #tpu.memory_space<hbm>> -> memref<200x128xf32, #tpu.memory_space<hbm>>
      %dma_start3A_190 = arith.constant 0 : i32
      %dma_start3A_191 = tpu.memref_slice %arg4[%add3A_182, %dma_start3A_190] : memref<3276800x128xf32, #tpu.memory_space<hbm>> -> memref<200x128xf32, #tpu.memory_space<hbm>>
      %dma_start3A_192 = arith.constant 0 : i32
      %dma_start3A_193 = arith.constant 0 : i32
      %dma_start3A_194 = tpu.memref_slice %arg7[%dma_start3A_183, %dma_start3A_192, %dma_start3A_193] : memref<4x200x128xf32, #tpu.memory_space<vmem>> -> memref<1x200x128xf32, #tpu.memory_space<vmem>>
      %dma_start3A_195 = tpu.memref_squeeze %dma_start3A_194 : memref<1x200x128xf32, #tpu.memory_space<vmem>> -> memref<200x128xf32, #tpu.memory_space<vmem>>
      tpu.enqueue_dma source(%dma_start3A_195 : memref<200x128xf32, #tpu.memory_space<vmem>>) target(%dma_start3A_191 : memref<200x128xf32, #tpu.memory_space<hbm>>) target_semaphore(%arg13 : memref<!tpu.dma_semaphore, #tpu.memory_space<semaphore_mem>>)
      %ge3A_196 = arith.constant 1 : i32
      %ge3A_197 = arith.cmpi sge, %scan3A_81, %ge3A_196 : i32
      %convert_element_type3A_198 = arith.extui %ge3A_197 : i1 to i32
      %cond3A_199 = arith.constant 0 : i32
      %cond3A_200 = arith.cmpi ne, %convert_element_type3A_198, %cond3A_199 : i32
      scf.if %cond3A_200 {
        %mul3A_1311 = arith.constant 200 : i32
        %mul3A_1312 = arith.muli %mul3A_2, %mul3A_1311 : i32
        %dma_wait3A_1313 = arith.constant 2 : i32
        %dma_wait3A_1314 = arith.constant 0 : i32
        %dma_wait3A_1315 = arith.constant 0 : i32
        %dma_wait3A_1316 = tpu.memref_slice %arg7[%dma_wait3A_1313, %dma_wait3A_1314, %dma_wait3A_1315] : memref<4x200x128xf32, #tpu.memory_space<vmem>> -> memref<1x200x128xf32, #tpu.memory_space<vmem>>
        %dma_wait3A_1317 = tpu.memref_squeeze %dma_wait3A_1316 : memref<1x200x128xf32, #tpu.memory_space<vmem>> -> memref<200x128xf32, #tpu.memory_space<vmem>>
        %dma_wait3A_1318 = arith.constant 0 : i32
        %dma_wait3A_1319 = tpu.memref_slice %arg4[%mul3A_1312, %dma_wait3A_1318] : memref<3276800x128xf32, #tpu.memory_space<hbm>> -> memref<200x128xf32, #tpu.memory_space<hbm>>
        %dma_wait3A_1320 = arith.constant 0 : i32
        %dma_wait3A_1321 = tpu.memref_slice %arg4[%mul3A_1312, %dma_wait3A_1320] : memref<3276800x128xf32, #tpu.memory_space<hbm>> -> memref<200x128xf32, #tpu.memory_space<hbm>>
        %dma_wait3A_1322 = arith.constant 0 : i32
        %dma_wait3A_1323 = arith.constant 0 : i32
        %dma_wait3A_1324 = tpu.memref_slice %arg7[%dma_wait3A_1313, %dma_wait3A_1322, %dma_wait3A_1323] : memref<4x200x128xf32, #tpu.memory_space<vmem>> -> memref<1x200x128xf32, #tpu.memory_space<vmem>>
        %dma_wait3A_1325 = tpu.memref_squeeze %dma_wait3A_1324 : memref<1x200x128xf32, #tpu.memory_space<vmem>> -> memref<200x128xf32, #tpu.memory_space<vmem>>
        tpu.wait_dma2 semaphore(%arg15 : memref<!tpu.dma_semaphore, #tpu.memory_space<semaphore_mem>>) src(%dma_wait3A_1325 : memref<200x128xf32, #tpu.memory_space<vmem>>) dst(%dma_wait3A_1321 : memref<200x128xf32, #tpu.memory_space<hbm>>)
      } else {
      }
      %dma_start3A_201 = arith.constant 2 : i32
      %dma_start3A_202 = arith.constant 2 : i32
      %dma_start3A_203 = arith.constant 0 : i32
      %dma_start3A_204 = arith.constant 0 : i32
      %dma_start3A_205 = tpu.memref_slice %arg7[%dma_start3A_202, %dma_start3A_203, %dma_start3A_204] : memref<4x200x128xf32, #tpu.memory_space<vmem>> -> memref<1x128x128xf32, #tpu.memory_space<vmem>>
      %dma_start3A_206 = tpu.memref_squeeze %dma_start3A_205 : memref<1x128x128xf32, #tpu.memory_space<vmem>> -> memref<128x128xf32, #tpu.memory_space<vmem>>
      %dma_start3A_207 = arith.constant 0 : i32
      %dma_start3A_208 = tpu.memref_slice %arg6[%rem3A_82, %dma_start3A_201, %dma_start3A_207] : memref<2x16x200xi32, #tpu.memory_space<vmem>> -> memref<1x1x128xi32, #tpu.memory_space<vmem>>
      %dma_start3A_209 = tpu.memref_squeeze %dma_start3A_208 : memref<1x1x128xi32, #tpu.memory_space<vmem>> -> memref<128xi32, #tpu.memory_space<vmem>>
      %dma_start3A_210 = arith.constant 0 : i32
      %dma_start3A_211 = arith.constant 0 : i32
      %dma_start3A_212 = tpu.memref_slice %arg5[%dma_start3A_210, %dma_start3A_211] : memref<30x128xf32, #tpu.memory_space<vmem_shared>> -> memref<30x128xf32, #tpu.memory_space<vmem_shared>>
      tpu.enqueue_indirect_dma source(%dma_start3A_212 : memref<30x128xf32, #tpu.memory_space<vmem_shared>>) target(%dma_start3A_206 : memref<128x128xf32, #tpu.memory_space<vmem>>) offsets(%dma_start3A_209 : memref<128xi32, #tpu.memory_space<vmem>>) semaphore(%arg11 : memref<!tpu.dma_semaphore, #tpu.memory_space<semaphore_mem>>)
      %dma_start3A_213 = arith.constant 2 : i32
      %dma_start3A_214 = arith.constant 2 : i32
      %dma_start3A_215 = arith.constant 128 : i32
      %dma_start3A_216 = arith.constant 0 : i32
      %dma_start3A_217 = tpu.memref_slice %arg7[%dma_start3A_214, %dma_start3A_215, %dma_start3A_216] : memref<4x200x128xf32, #tpu.memory_space<vmem>> -> memref<1x72x128xf32, #tpu.memory_space<vmem>>
      %dma_start3A_218 = tpu.memref_squeeze %dma_start3A_217 : memref<1x72x128xf32, #tpu.memory_space<vmem>> -> memref<72x128xf32, #tpu.memory_space<vmem>>
      %dma_start3A_219 = arith.constant 128 : i32
      %dma_start3A_220 = tpu.memref_slice %arg6[%rem3A_82, %dma_start3A_213, %dma_start3A_219] : memref<2x16x200xi32, #tpu.memory_space<vmem>> -> memref<1x1x72xi32, #tpu.memory_space<vmem>>
      %dma_start3A_221 = tpu.memref_squeeze %dma_start3A_220 : memref<1x1x72xi32, #tpu.memory_space<vmem>> -> memref<72xi32, #tpu.memory_space<vmem>>
      %dma_start3A_222 = arith.constant 0 : i32
      %dma_start3A_223 = arith.constant 0 : i32
      %dma_start3A_224 = tpu.memref_slice %arg5[%dma_start3A_222, %dma_start3A_223] : memref<30x128xf32, #tpu.memory_space<vmem_shared>> -> memref<30x128xf32, #tpu.memory_space<vmem_shared>>
      tpu.enqueue_indirect_dma source(%dma_start3A_224 : memref<30x128xf32, #tpu.memory_space<vmem_shared>>) target(%dma_start3A_218 : memref<72x128xf32, #tpu.memory_space<vmem>>) offsets(%dma_start3A_221 : memref<72xi32, #tpu.memory_space<vmem>>) semaphore(%arg11 : memref<!tpu.dma_semaphore, #tpu.memory_space<semaphore_mem>>)
      %dma_wait3A_225 = arith.constant 1 : i32
      %dma_wait3A_226 = arith.constant 1 : i32
      %dma_wait3A_227 = arith.constant 0 : i32
      %dma_wait3A_228 = arith.constant 0 : i32
      %dma_wait3A_229 = tpu.memref_slice %arg7[%dma_wait3A_226, %dma_wait3A_227, %dma_wait3A_228] : memref<4x200x128xf32, #tpu.memory_space<vmem>> -> memref<1x128x128xf32, #tpu.memory_space<vmem>>
      %dma_wait3A_230 = tpu.memref_squeeze %dma_wait3A_229 : memref<1x128x128xf32, #tpu.memory_space<vmem>> -> memref<128x128xf32, #tpu.memory_space<vmem>>
      %dma_wait3A_231 = arith.constant 0 : i32
      %dma_wait3A_232 = tpu.memref_slice %arg6[%rem3A_82, %dma_wait3A_225, %dma_wait3A_231] : memref<2x16x200xi32, #tpu.memory_space<vmem>> -> memref<1x1x128xi32, #tpu.memory_space<vmem>>
      %dma_wait3A_233 = tpu.memref_squeeze %dma_wait3A_232 : memref<1x1x128xi32, #tpu.memory_space<vmem>> -> memref<128xi32, #tpu.memory_space<vmem>>
      %dma_wait3A_234 = arith.constant 0 : i32
      %dma_wait3A_235 = arith.constant 0 : i32
      %dma_wait3A_236 = tpu.memref_slice %arg5[%dma_wait3A_234, %dma_wait3A_235] : memref<30x128xf32, #tpu.memory_space<vmem_shared>> -> memref<30x128xf32, #tpu.memory_space<vmem_shared>>
      tpu.wait_indirect_dma semaphore(%arg10 : memref<!tpu.dma_semaphore, #tpu.memory_space<semaphore_mem>>) src(%dma_wait3A_236 : memref<30x128xf32, #tpu.memory_space<vmem_shared>>) dst(%dma_wait3A_230 : memref<128x128xf32, #tpu.memory_space<vmem>>)
      %dma_wait3A_237 = arith.constant 1 : i32
      %dma_wait3A_238 = arith.constant 1 : i32
      %dma_wait3A_239 = arith.constant 128 : i32
      %dma_wait3A_240 = arith.constant 0 : i32
      %dma_wait3A_241 = tpu.memref_slice %arg7[%dma_wait3A_238, %dma_wait3A_239, %dma_wait3A_240] : memref<4x200x128xf32, #tpu.memory_space<vmem>> -> memref<1x72x128xf32, #tpu.memory_space<vmem>>
      %dma_wait3A_242 = tpu.memref_squeeze %dma_wait3A_241 : memref<1x72x128xf32, #tpu.memory_space<vmem>> -> memref<72x128xf32, #tpu.memory_space<vmem>>
      %dma_wait3A_243 = arith.constant 128 : i32
      %dma_wait3A_244 = tpu.memref_slice %arg6[%rem3A_82, %dma_wait3A_237, %dma_wait3A_243] : memref<2x16x200xi32, #tpu.memory_space<vmem>> -> memref<1x1x72xi32, #tpu.memory_space<vmem>>
      %dma_wait3A_245 = tpu.memref_squeeze %dma_wait3A_244 : memref<1x1x72xi32, #tpu.memory_space<vmem>> -> memref<72xi32, #tpu.memory_space<vmem>>
      %dma_wait3A_246 = arith.constant 0 : i32
      %dma_wait3A_247 = arith.constant 0 : i32
      %dma_wait3A_248 = tpu.memref_slice %arg5[%dma_wait3A_246, %dma_wait3A_247] : memref<30x128xf32, #tpu.memory_space<vmem_shared>> -> memref<30x128xf32, #tpu.memory_space<vmem_shared>>
      tpu.wait_indirect_dma semaphore(%arg10 : memref<!tpu.dma_semaphore, #tpu.memory_space<semaphore_mem>>) src(%dma_wait3A_248 : memref<30x128xf32, #tpu.memory_space<vmem_shared>>) dst(%dma_wait3A_242 : memref<72x128xf32, #tpu.memory_space<vmem>>)
      %add3A_249 = arith.constant 200 : i32
      %add3A_250 = arith.addi %mul3A_99, %add3A_249 : i32
      %dma_start3A_251 = arith.constant 1 : i32
      %dma_start3A_252 = arith.constant 0 : i32
      %dma_start3A_253 = arith.constant 0 : i32
      %dma_start3A_254 = tpu.memref_slice %arg7[%dma_start3A_251, %dma_start3A_252, %dma_start3A_253] : memref<4x200x128xf32, #tpu.memory_space<vmem>> -> memref<1x200x128xf32, #tpu.memory_space<vmem>>
      %dma_start3A_255 = tpu.memref_squeeze %dma_start3A_254 : memref<1x200x128xf32, #tpu.memory_space<vmem>> -> memref<200x128xf32, #tpu.memory_space<vmem>>
      %dma_start3A_256 = arith.constant 0 : i32
      %dma_start3A_257 = tpu.memref_slice %arg4[%add3A_250, %dma_start3A_256] : memref<3276800x128xf32, #tpu.memory_space<hbm>> -> memref<200x128xf32, #tpu.memory_space<hbm>>
      %dma_start3A_258 = arith.constant 0 : i32
      %dma_start3A_259 = tpu.memref_slice %arg4[%add3A_250, %dma_start3A_258] : memref<3276800x128xf32, #tpu.memory_space<hbm>> -> memref<200x128xf32, #tpu.memory_space<hbm>>
      %dma_start3A_260 = arith.constant 0 : i32
      %dma_start3A_261 = arith.constant 0 : i32
      %dma_start3A_262 = tpu.memref_slice %arg7[%dma_start3A_251, %dma_start3A_260, %dma_start3A_261] : memref<4x200x128xf32, #tpu.memory_space<vmem>> -> memref<1x200x128xf32, #tpu.memory_space<vmem>>
      %dma_start3A_263 = tpu.memref_squeeze %dma_start3A_262 : memref<1x200x128xf32, #tpu.memory_space<vmem>> -> memref<200x128xf32, #tpu.memory_space<vmem>>
      tpu.enqueue_dma source(%dma_start3A_263 : memref<200x128xf32, #tpu.memory_space<vmem>>) target(%dma_start3A_259 : memref<200x128xf32, #tpu.memory_space<hbm>>) target_semaphore(%arg14 : memref<!tpu.dma_semaphore, #tpu.memory_space<semaphore_mem>>)
      %ge3A_264 = arith.constant 1 : i32
      %ge3A_265 = arith.cmpi sge, %scan3A_81, %ge3A_264 : i32
      %convert_element_type3A_266 = arith.extui %ge3A_265 : i1 to i32
      %cond3A_267 = arith.constant 0 : i32
      %cond3A_268 = arith.cmpi ne, %convert_element_type3A_266, %cond3A_267 : i32
      scf.if %cond3A_268 {
        %mul3A_1311 = arith.constant 200 : i32
        %mul3A_1312 = arith.muli %mul3A_2, %mul3A_1311 : i32
        %dma_wait3A_1313 = arith.constant 3 : i32
        %dma_wait3A_1314 = arith.constant 0 : i32
        %dma_wait3A_1315 = arith.constant 0 : i32
        %dma_wait3A_1316 = tpu.memref_slice %arg7[%dma_wait3A_1313, %dma_wait3A_1314, %dma_wait3A_1315] : memref<4x200x128xf32, #tpu.memory_space<vmem>> -> memref<1x200x128xf32, #tpu.memory_space<vmem>>
        %dma_wait3A_1317 = tpu.memref_squeeze %dma_wait3A_1316 : memref<1x200x128xf32, #tpu.memory_space<vmem>> -> memref<200x128xf32, #tpu.memory_space<vmem>>
        %dma_wait3A_1318 = arith.constant 0 : i32
        %dma_wait3A_1319 = tpu.memref_slice %arg4[%mul3A_1312, %dma_wait3A_1318] : memref<3276800x128xf32, #tpu.memory_space<hbm>> -> memref<200x128xf32, #tpu.memory_space<hbm>>
        %dma_wait3A_1320 = arith.constant 0 : i32
        %dma_wait3A_1321 = tpu.memref_slice %arg4[%mul3A_1312, %dma_wait3A_1320] : memref<3276800x128xf32, #tpu.memory_space<hbm>> -> memref<200x128xf32, #tpu.memory_space<hbm>>
        %dma_wait3A_1322 = arith.constant 0 : i32
        %dma_wait3A_1323 = arith.constant 0 : i32
        %dma_wait3A_1324 = tpu.memref_slice %arg7[%dma_wait3A_1313, %dma_wait3A_1322, %dma_wait3A_1323] : memref<4x200x128xf32, #tpu.memory_space<vmem>> -> memref<1x200x128xf32, #tpu.memory_space<vmem>>
        %dma_wait3A_1325 = tpu.memref_squeeze %dma_wait3A_1324 : memref<1x200x128xf32, #tpu.memory_space<vmem>> -> memref<200x128xf32, #tpu.memory_space<vmem>>
        tpu.wait_dma2 semaphore(%arg16 : memref<!tpu.dma_semaphore, #tpu.memory_space<semaphore_mem>>) src(%dma_wait3A_1325 : memref<200x128xf32, #tpu.memory_space<vmem>>) dst(%dma_wait3A_1321 : memref<200x128xf32, #tpu.memory_space<hbm>>)
      } else {
      }
      %dma_start3A_269 = arith.constant 3 : i32
      %dma_start3A_270 = arith.constant 3 : i32
      %dma_start3A_271 = arith.constant 0 : i32
      %dma_start3A_272 = arith.constant 0 : i32
      %dma_start3A_273 = tpu.memref_slice %arg7[%dma_start3A_270, %dma_start3A_271, %dma_start3A_272] : memref<4x200x128xf32, #tpu.memory_space<vmem>> -> memref<1x128x128xf32, #tpu.memory_space<vmem>>
      %dma_start3A_274 = tpu.memref_squeeze %dma_start3A_273 : memref<1x128x128xf32, #tpu.memory_space<vmem>> -> memref<128x128xf32, #tpu.memory_space<vmem>>
      %dma_start3A_275 = arith.constant 0 : i32
      %dma_start3A_276 = tpu.memref_slice %arg6[%rem3A_82, %dma_start3A_269, %dma_start3A_275] : memref<2x16x200xi32, #tpu.memory_space<vmem>> -> memref<1x1x128xi32, #tpu.memory_space<vmem>>
      %dma_start3A_277 = tpu.memref_squeeze %dma_start3A_276 : memref<1x1x128xi32, #tpu.memory_space<vmem>> -> memref<128xi32, #tpu.memory_space<vmem>>
      %dma_start3A_278 = arith.constant 0 : i32
      %dma_start3A_279 = arith.constant 0 : i32
      %dma_start3A_280 = tpu.memref_slice %arg5[%dma_start3A_278, %dma_start3A_279] : memref<30x128xf32, #tpu.memory_space<vmem_shared>> -> memref<30x128xf32, #tpu.memory_space<vmem_shared>>
      tpu.enqueue_indirect_dma source(%dma_start3A_280 : memref<30x128xf32, #tpu.memory_space<vmem_shared>>) target(%dma_start3A_274 : memref<128x128xf32, #tpu.memory_space<vmem>>) offsets(%dma_start3A_277 : memref<128xi32, #tpu.memory_space<vmem>>) semaphore(%arg12 : memref<!tpu.dma_semaphore, #tpu.memory_space<semaphore_mem>>)
      %dma_start3A_281 = arith.constant 3 : i32
      %dma_start3A_282 = arith.constant 3 : i32
      %dma_start3A_283 = arith.constant 128 : i32
      %dma_start3A_284 = arith.constant 0 : i32
      %dma_start3A_285 = tpu.memref_slice %arg7[%dma_start3A_282, %dma_start3A_283, %dma_start3A_284] : memref<4x200x128xf32, #tpu.memory_space<vmem>> -> memref<1x72x128xf32, #tpu.memory_space<vmem>>
      %dma_start3A_286 = tpu.memref_squeeze %dma_start3A_285 : memref<1x72x128xf32, #tpu.memory_space<vmem>> -> memref<72x128xf32, #tpu.memory_space<vmem>>
      %dma_start3A_287 = arith.constant 128 : i32
      %dma_start3A_288 = tpu.memref_slice %arg6[%rem3A_82, %dma_start3A_281, %dma_start3A_287] : memref<2x16x200xi32, #tpu.memory_space<vmem>> -> memref<1x1x72xi32, #tpu.memory_space<vmem>>
      %dma_start3A_289 = tpu.memref_squeeze %dma_start3A_288 : memref<1x1x72xi32, #tpu.memory_space<vmem>> -> memref<72xi32, #tpu.memory_space<vmem>>
      %dma_start3A_290 = arith.constant 0 : i32
      %dma_start3A_291 = arith.constant 0 : i32
      %dma_start3A_292 = tpu.memref_slice %arg5[%dma_start3A_290, %dma_start3A_291] : memref<30x128xf32, #tpu.memory_space<vmem_shared>> -> memref<30x128xf32, #tpu.memory_space<vmem_shared>>
      tpu.enqueue_indirect_dma source(%dma_start3A_292 : memref<30x128xf32, #tpu.memory_space<vmem_shared>>) target(%dma_start3A_286 : memref<72x128xf32, #tpu.memory_space<vmem>>) offsets(%dma_start3A_289 : memref<72xi32, #tpu.memory_space<vmem>>) semaphore(%arg12 : memref<!tpu.dma_semaphore, #tpu.memory_space<semaphore_mem>>)
      %dma_wait3A_293 = arith.constant 2 : i32
      %dma_wait3A_294 = arith.constant 2 : i32
      %dma_wait3A_295 = arith.constant 0 : i32
      %dma_wait3A_296 = arith.constant 0 : i32
      %dma_wait3A_297 = tpu.memref_slice %arg7[%dma_wait3A_294, %dma_wait3A_295, %dma_wait3A_296] : memref<4x200x128xf32, #tpu.memory_space<vmem>> -> memref<1x128x128xf32, #tpu.memory_space<vmem>>
      %dma_wait3A_298 = tpu.memref_squeeze %dma_wait3A_297 : memref<1x128x128xf32, #tpu.memory_space<vmem>> -> memref<128x128xf32, #tpu.memory_space<vmem>>
      %dma_wait3A_299 = arith.constant 0 : i32
      %dma_wait3A_300 = tpu.memref_slice %arg6[%rem3A_82, %dma_wait3A_293, %dma_wait3A_299] : memref<2x16x200xi32, #tpu.memory_space<vmem>> -> memref<1x1x128xi32, #tpu.memory_space<vmem>>
      %dma_wait3A_301 = tpu.memref_squeeze %dma_wait3A_300 : memref<1x1x128xi32, #tpu.memory_space<vmem>> -> memref<128xi32, #tpu.memory_space<vmem>>
      %dma_wait3A_302 = arith.constant 0 : i32
      %dma_wait3A_303 = arith.constant 0 : i32
      %dma_wait3A_304 = tpu.memref_slice %arg5[%dma_wait3A_302, %dma_wait3A_303] : memref<30x128xf32, #tpu.memory_space<vmem_shared>> -> memref<30x128xf32, #tpu.memory_space<vmem_shared>>
      tpu.wait_indirect_dma semaphore(%arg11 : memref<!tpu.dma_semaphore, #tpu.memory_space<semaphore_mem>>) src(%dma_wait3A_304 : memref<30x128xf32, #tpu.memory_space<vmem_shared>>) dst(%dma_wait3A_298 : memref<128x128xf32, #tpu.memory_space<vmem>>)
      %dma_wait3A_305 = arith.constant 2 : i32
      %dma_wait3A_306 = arith.constant 2 : i32
      %dma_wait3A_307 = arith.constant 128 : i32
      %dma_wait3A_308 = arith.constant 0 : i32
      %dma_wait3A_309 = tpu.memref_slice %arg7[%dma_wait3A_306, %dma_wait3A_307, %dma_wait3A_308] : memref<4x200x128xf32, #tpu.memory_space<vmem>> -> memref<1x72x128xf32, #tpu.memory_space<vmem>>
      %dma_wait3A_310 = tpu.memref_squeeze %dma_wait3A_309 : memref<1x72x128xf32, #tpu.memory_space<vmem>> -> memref<72x128xf32, #tpu.memory_space<vmem>>
      %dma_wait3A_311 = arith.constant 128 : i32
      %dma_wait3A_312 = tpu.memref_slice %arg6[%rem3A_82, %dma_wait3A_305, %dma_wait3A_311] : memref<2x16x200xi32, #tpu.memory_space<vmem>> -> memref<1x1x72xi32, #tpu.memory_space<vmem>>
      %dma_wait3A_313 = tpu.memref_squeeze %dma_wait3A_312 : memref<1x1x72xi32, #tpu.memory_space<vmem>> -> memref<72xi32, #tpu.memory_space<vmem>>
      %dma_wait3A_314 = arith.constant 0 : i32
      %dma_wait3A_315 = arith.constant 0 : i32
      %dma_wait3A_316 = tpu.memref_slice %arg5[%dma_wait3A_314, %dma_wait3A_315] : memref<30x128xf32, #tpu.memory_space<vmem_shared>> -> memref<30x128xf32, #tpu.memory_space<vmem_shared>>
      tpu.wait_indirect_dma semaphore(%arg11 : memref<!tpu.dma_semaphore, #tpu.memory_space<semaphore_mem>>) src(%dma_wait3A_316 : memref<30x128xf32, #tpu.memory_space<vmem_shared>>) dst(%dma_wait3A_310 : memref<72x128xf32, #tpu.memory_space<vmem>>)
      %add3A_317 = arith.constant 400 : i32
      %add3A_318 = arith.addi %mul3A_99, %add3A_317 : i32
      %dma_start3A_319 = arith.constant 2 : i32
      %dma_start3A_320 = arith.constant 0 : i32
      %dma_start3A_321 = arith.constant 0 : i32
      %dma_start3A_322 = tpu.memref_slice %arg7[%dma_start3A_319, %dma_start3A_320, %dma_start3A_321] : memref<4x200x128xf32, #tpu.memory_space<vmem>> -> memref<1x200x128xf32, #tpu.memory_space<vmem>>
      %dma_start3A_323 = tpu.memref_squeeze %dma_start3A_322 : memref<1x200x128xf32, #tpu.memory_space<vmem>> -> memref<200x128xf32, #tpu.memory_space<vmem>>
      %dma_start3A_324 = arith.constant 0 : i32
      %dma_start3A_325 = tpu.memref_slice %arg4[%add3A_318, %dma_start3A_324] : memref<3276800x128xf32, #tpu.memory_space<hbm>> -> memref<200x128xf32, #tpu.memory_space<hbm>>
      %dma_start3A_326 = arith.constant 0 : i32
      %dma_start3A_327 = tpu.memref_slice %arg4[%add3A_318, %dma_start3A_326] : memref<3276800x128xf32, #tpu.memory_space<hbm>> -> memref<200x128xf32, #tpu.memory_space<hbm>>
      %dma_start3A_328 = arith.constant 0 : i32
      %dma_start3A_329 = arith.constant 0 : i32
      %dma_start3A_330 = tpu.memref_slice %arg7[%dma_start3A_319, %dma_start3A_328, %dma_start3A_329] : memref<4x200x128xf32, #tpu.memory_space<vmem>> -> memref<1x200x128xf32, #tpu.memory_space<vmem>>
      %dma_start3A_331 = tpu.memref_squeeze %dma_start3A_330 : memref<1x200x128xf32, #tpu.memory_space<vmem>> -> memref<200x128xf32, #tpu.memory_space<vmem>>
      tpu.enqueue_dma source(%dma_start3A_331 : memref<200x128xf32, #tpu.memory_space<vmem>>) target(%dma_start3A_327 : memref<200x128xf32, #tpu.memory_space<hbm>>) target_semaphore(%arg15 : memref<!tpu.dma_semaphore, #tpu.memory_space<semaphore_mem>>)
      %mul3A_332 = arith.constant 200 : i32
      %mul3A_333 = arith.muli %mul3A_2, %mul3A_332 : i32
      %dma_wait3A_334 = arith.constant 0 : i32
      %dma_wait3A_335 = arith.constant 0 : i32
      %dma_wait3A_336 = arith.constant 0 : i32
      %dma_wait3A_337 = tpu.memref_slice %arg7[%dma_wait3A_334, %dma_wait3A_335, %dma_wait3A_336] : memref<4x200x128xf32, #tpu.memory_space<vmem>> -> memref<1x200x128xf32, #tpu.memory_space<vmem>>
      %dma_wait3A_338 = tpu.memref_squeeze %dma_wait3A_337 : memref<1x200x128xf32, #tpu.memory_space<vmem>> -> memref<200x128xf32, #tpu.memory_space<vmem>>
      %dma_wait3A_339 = arith.constant 0 : i32
      %dma_wait3A_340 = tpu.memref_slice %arg4[%mul3A_333, %dma_wait3A_339] : memref<3276800x128xf32, #tpu.memory_space<hbm>> -> memref<200x128xf32, #tpu.memory_space<hbm>>
      %dma_wait3A_341 = arith.constant 0 : i32
      %dma_wait3A_342 = tpu.memref_slice %arg4[%mul3A_333, %dma_wait3A_341] : memref<3276800x128xf32, #tpu.memory_space<hbm>> -> memref<200x128xf32, #tpu.memory_space<hbm>>
      %dma_wait3A_343 = arith.constant 0 : i32
      %dma_wait3A_344 = arith.constant 0 : i32
      %dma_wait3A_345 = tpu.memref_slice %arg7[%dma_wait3A_334, %dma_wait3A_343, %dma_wait3A_344] : memref<4x200x128xf32, #tpu.memory_space<vmem>> -> memref<1x200x128xf32, #tpu.memory_space<vmem>>
      %dma_wait3A_346 = tpu.memref_squeeze %dma_wait3A_345 : memref<1x200x128xf32, #tpu.memory_space<vmem>> -> memref<200x128xf32, #tpu.memory_space<vmem>>
      tpu.wait_dma2 semaphore(%arg13 : memref<!tpu.dma_semaphore, #tpu.memory_space<semaphore_mem>>) src(%dma_wait3A_346 : memref<200x128xf32, #tpu.memory_space<vmem>>) dst(%dma_wait3A_342 : memref<200x128xf32, #tpu.memory_space<hbm>>)
      %dma_start3A_347 = arith.constant 4 : i32
      %dma_start3A_348 = arith.constant 0 : i32
      %dma_start3A_349 = arith.constant 0 : i32
      %dma_start3A_350 = arith.constant 0 : i32
      %dma_start3A_351 = tpu.memref_slice %arg7[%dma_start3A_348, %dma_start3A_349, %dma_start3A_350] : memref<4x200x128xf32, #tpu.memory_space<vmem>> -> memref<1x128x128xf32, #tpu.memory_space<vmem>>
      %dma_start3A_352 = tpu.memref_squeeze %dma_start3A_351 : memref<1x128x128xf32, #tpu.memory_space<vmem>> -> memref<128x128xf32, #tpu.memory_space<vmem>>
      %dma_start3A_353 = arith.constant 0 : i32
      %dma_start3A_354 = tpu.memref_slice %arg6[%rem3A_82, %dma_start3A_347, %dma_start3A_353] : memref<2x16x200xi32, #tpu.memory_space<vmem>> -> memref<1x1x128xi32, #tpu.memory_space<vmem>>
      %dma_start3A_355 = tpu.memref_squeeze %dma_start3A_354 : memref<1x1x128xi32, #tpu.memory_space<vmem>> -> memref<128xi32, #tpu.memory_space<vmem>>
      %dma_start3A_356 = arith.constant 0 : i32
      %dma_start3A_357 = arith.constant 0 : i32
      %dma_start3A_358 = tpu.memref_slice %arg5[%dma_start3A_356, %dma_start3A_357] : memref<30x128xf32, #tpu.memory_space<vmem_shared>> -> memref<30x128xf32, #tpu.memory_space<vmem_shared>>
      tpu.enqueue_indirect_dma source(%dma_start3A_358 : memref<30x128xf32, #tpu.memory_space<vmem_shared>>) target(%dma_start3A_352 : memref<128x128xf32, #tpu.memory_space<vmem>>) offsets(%dma_start3A_355 : memref<128xi32, #tpu.memory_space<vmem>>) semaphore(%arg9 : memref<!tpu.dma_semaphore, #tpu.memory_space<semaphore_mem>>)
      %dma_start3A_359 = arith.constant 4 : i32
      %dma_start3A_360 = arith.constant 0 : i32
      %dma_start3A_361 = arith.constant 128 : i32
      %dma_start3A_362 = arith.constant 0 : i32
      %dma_start3A_363 = tpu.memref_slice %arg7[%dma_start3A_360, %dma_start3A_361, %dma_start3A_362] : memref<4x200x128xf32, #tpu.memory_space<vmem>> -> memref<1x72x128xf32, #tpu.memory_space<vmem>>
      %dma_start3A_364 = tpu.memref_squeeze %dma_start3A_363 : memref<1x72x128xf32, #tpu.memory_space<vmem>> -> memref<72x128xf32, #tpu.memory_space<vmem>>
      %dma_start3A_365 = arith.constant 128 : i32
      %dma_start3A_366 = tpu.memref_slice %arg6[%rem3A_82, %dma_start3A_359, %dma_start3A_365] : memref<2x16x200xi32, #tpu.memory_space<vmem>> -> memref<1x1x72xi32, #tpu.memory_space<vmem>>
      %dma_start3A_367 = tpu.memref_squeeze %dma_start3A_366 : memref<1x1x72xi32, #tpu.memory_space<vmem>> -> memref<72xi32, #tpu.memory_space<vmem>>
      %dma_start3A_368 = arith.constant 0 : i32
      %dma_start3A_369 = arith.constant 0 : i32
      %dma_start3A_370 = tpu.memref_slice %arg5[%dma_start3A_368, %dma_start3A_369] : memref<30x128xf32, #tpu.memory_space<vmem_shared>> -> memref<30x128xf32, #tpu.memory_space<vmem_shared>>
      tpu.enqueue_indirect_dma source(%dma_start3A_370 : memref<30x128xf32, #tpu.memory_space<vmem_shared>>) target(%dma_start3A_364 : memref<72x128xf32, #tpu.memory_space<vmem>>) offsets(%dma_start3A_367 : memref<72xi32, #tpu.memory_space<vmem>>) semaphore(%arg9 : memref<!tpu.dma_semaphore, #tpu.memory_space<semaphore_mem>>)
      %dma_wait3A_371 = arith.constant 3 : i32
      %dma_wait3A_372 = arith.constant 3 : i32
      %dma_wait3A_373 = arith.constant 0 : i32
      %dma_wait3A_374 = arith.constant 0 : i32
      %dma_wait3A_375 = tpu.memref_slice %arg7[%dma_wait3A_372, %dma_wait3A_373, %dma_wait3A_374] : memref<4x200x128xf32, #tpu.memory_space<vmem>> -> memref<1x128x128xf32, #tpu.memory_space<vmem>>
      %dma_wait3A_376 = tpu.memref_squeeze %dma_wait3A_375 : memref<1x128x128xf32, #tpu.memory_space<vmem>> -> memref<128x128xf32, #tpu.memory_space<vmem>>
      %dma_wait3A_377 = arith.constant 0 : i32
      %dma_wait3A_378 = tpu.memref_slice %arg6[%rem3A_82, %dma_wait3A_371, %dma_wait3A_377] : memref<2x16x200xi32, #tpu.memory_space<vmem>> -> memref<1x1x128xi32, #tpu.memory_space<vmem>>
      %dma_wait3A_379 = tpu.memref_squeeze %dma_wait3A_378 : memref<1x1x128xi32, #tpu.memory_space<vmem>> -> memref<128xi32, #tpu.memory_space<vmem>>
      %dma_wait3A_380 = arith.constant 0 : i32
      %dma_wait3A_381 = arith.constant 0 : i32
      %dma_wait3A_382 = tpu.memref_slice %arg5[%dma_wait3A_380, %dma_wait3A_381] : memref<30x128xf32, #tpu.memory_space<vmem_shared>> -> memref<30x128xf32, #tpu.memory_space<vmem_shared>>
      tpu.wait_indirect_dma semaphore(%arg12 : memref<!tpu.dma_semaphore, #tpu.memory_space<semaphore_mem>>) src(%dma_wait3A_382 : memref<30x128xf32, #tpu.memory_space<vmem_shared>>) dst(%dma_wait3A_376 : memref<128x128xf32, #tpu.memory_space<vmem>>)
      %dma_wait3A_383 = arith.constant 3 : i32
      %dma_wait3A_384 = arith.constant 3 : i32
      %dma_wait3A_385 = arith.constant 128 : i32
      %dma_wait3A_386 = arith.constant 0 : i32
      %dma_wait3A_387 = tpu.memref_slice %arg7[%dma_wait3A_384, %dma_wait3A_385, %dma_wait3A_386] : memref<4x200x128xf32, #tpu.memory_space<vmem>> -> memref<1x72x128xf32, #tpu.memory_space<vmem>>
      %dma_wait3A_388 = tpu.memref_squeeze %dma_wait3A_387 : memref<1x72x128xf32, #tpu.memory_space<vmem>> -> memref<72x128xf32, #tpu.memory_space<vmem>>
      %dma_wait3A_389 = arith.constant 128 : i32
      %dma_wait3A_390 = tpu.memref_slice %arg6[%rem3A_82, %dma_wait3A_383, %dma_wait3A_389] : memref<2x16x200xi32, #tpu.memory_space<vmem>> -> memref<1x1x72xi32, #tpu.memory_space<vmem>>
      %dma_wait3A_391 = tpu.memref_squeeze %dma_wait3A_390 : memref<1x1x72xi32, #tpu.memory_space<vmem>> -> memref<72xi32, #tpu.memory_space<vmem>>
      %dma_wait3A_392 = arith.constant 0 : i32
      %dma_wait3A_393 = arith.constant 0 : i32
      %dma_wait3A_394 = tpu.memref_slice %arg5[%dma_wait3A_392, %dma_wait3A_393] : memref<30x128xf32, #tpu.memory_space<vmem_shared>> -> memref<30x128xf32, #tpu.memory_space<vmem_shared>>
      tpu.wait_indirect_dma semaphore(%arg12 : memref<!tpu.dma_semaphore, #tpu.memory_space<semaphore_mem>>) src(%dma_wait3A_394 : memref<30x128xf32, #tpu.memory_space<vmem_shared>>) dst(%dma_wait3A_388 : memref<72x128xf32, #tpu.memory_space<vmem>>)
      %add3A_395 = arith.constant 600 : i32
      %add3A_396 = arith.addi %mul3A_99, %add3A_395 : i32
      %dma_start3A_397 = arith.constant 3 : i32
      %dma_start3A_398 = arith.constant 0 : i32
      %dma_start3A_399 = arith.constant 0 : i32
      %dma_start3A_400 = tpu.memref_slice %arg7[%dma_start3A_397, %dma_start3A_398, %dma_start3A_399] : memref<4x200x128xf32, #tpu.memory_space<vmem>> -> memref<1x200x128xf32, #tpu.memory_space<vmem>>
      %dma_start3A_401 = tpu.memref_squeeze %dma_start3A_400 : memref<1x200x128xf32, #tpu.memory_space<vmem>> -> memref<200x128xf32, #tpu.memory_space<vmem>>
      %dma_start3A_402 = arith.constant 0 : i32
      %dma_start3A_403 = tpu.memref_slice %arg4[%add3A_396, %dma_start3A_402] : memref<3276800x128xf32, #tpu.memory_space<hbm>> -> memref<200x128xf32, #tpu.memory_space<hbm>>
      %dma_start3A_404 = arith.constant 0 : i32
      %dma_start3A_405 = tpu.memref_slice %arg4[%add3A_396, %dma_start3A_404] : memref<3276800x128xf32, #tpu.memory_space<hbm>> -> memref<200x128xf32, #tpu.memory_space<hbm>>
      %dma_start3A_406 = arith.constant 0 : i32
      %dma_start3A_407 = arith.constant 0 : i32
      %dma_start3A_408 = tpu.memref_slice %arg7[%dma_start3A_397, %dma_start3A_406, %dma_start3A_407] : memref<4x200x128xf32, #tpu.memory_space<vmem>> -> memref<1x200x128xf32, #tpu.memory_space<vmem>>
      %dma_start3A_409 = tpu.memref_squeeze %dma_start3A_408 : memref<1x200x128xf32, #tpu.memory_space<vmem>> -> memref<200x128xf32, #tpu.memory_space<vmem>>
      tpu.enqueue_dma source(%dma_start3A_409 : memref<200x128xf32, #tpu.memory_space<vmem>>) target(%dma_start3A_405 : memref<200x128xf32, #tpu.memory_space<hbm>>) target_semaphore(%arg16 : memref<!tpu.dma_semaphore, #tpu.memory_space<semaphore_mem>>)
      %mul3A_410 = arith.constant 200 : i32
      %mul3A_411 = arith.muli %mul3A_2, %mul3A_410 : i32
      %dma_wait3A_412 = arith.constant 1 : i32
      %dma_wait3A_413 = arith.constant 0 : i32
      %dma_wait3A_414 = arith.constant 0 : i32
      %dma_wait3A_415 = tpu.memref_slice %arg7[%dma_wait3A_412, %dma_wait3A_413, %dma_wait3A_414] : memref<4x200x128xf32, #tpu.memory_space<vmem>> -> memref<1x200x128xf32, #tpu.memory_space<vmem>>
      %dma_wait3A_416 = tpu.memref_squeeze %dma_wait3A_415 : memref<1x200x128xf32, #tpu.memory_space<vmem>> -> memref<200x128xf32, #tpu.memory_space<vmem>>
      %dma_wait3A_417 = arith.constant 0 : i32
      %dma_wait3A_418 = tpu.memref_slice %arg4[%mul3A_411, %dma_wait3A_417] : memref<3276800x128xf32, #tpu.memory_space<hbm>> -> memref<200x128xf32, #tpu.memory_space<hbm>>
      %dma_wait3A_419 = arith.constant 0 : i32
      %dma_wait3A_420 = tpu.memref_slice %arg4[%mul3A_411, %dma_wait3A_419] : memref<3276800x128xf32, #tpu.memory_space<hbm>> -> memref<200x128xf32, #tpu.memory_space<hbm>>
      %dma_wait3A_421 = arith.constant 0 : i32
      %dma_wait3A_422 = arith.constant 0 : i32
      %dma_wait3A_423 = tpu.memref_slice %arg7[%dma_wait3A_412, %dma_wait3A_421, %dma_wait3A_422] : memref<4x200x128xf32, #tpu.memory_space<vmem>> -> memref<1x200x128xf32, #tpu.memory_space<vmem>>
      %dma_wait3A_424 = tpu.memref_squeeze %dma_wait3A_423 : memref<1x200x128xf32, #tpu.memory_space<vmem>> -> memref<200x128xf32, #tpu.memory_space<vmem>>
      tpu.wait_dma2 semaphore(%arg14 : memref<!tpu.dma_semaphore, #tpu.memory_space<semaphore_mem>>) src(%dma_wait3A_424 : memref<200x128xf32, #tpu.memory_space<vmem>>) dst(%dma_wait3A_420 : memref<200x128xf32, #tpu.memory_space<hbm>>)
      %dma_start3A_425 = arith.constant 5 : i32
      %dma_start3A_426 = arith.constant 1 : i32
      %dma_start3A_427 = arith.constant 0 : i32
      %dma_start3A_428 = arith.constant 0 : i32
      %dma_start3A_429 = tpu.memref_slice %arg7[%dma_start3A_426, %dma_start3A_427, %dma_start3A_428] : memref<4x200x128xf32, #tpu.memory_space<vmem>> -> memref<1x128x128xf32, #tpu.memory_space<vmem>>
      %dma_start3A_430 = tpu.memref_squeeze %dma_start3A_429 : memref<1x128x128xf32, #tpu.memory_space<vmem>> -> memref<128x128xf32, #tpu.memory_space<vmem>>
      %dma_start3A_431 = arith.constant 0 : i32
      %dma_start3A_432 = tpu.memref_slice %arg6[%rem3A_82, %dma_start3A_425, %dma_start3A_431] : memref<2x16x200xi32, #tpu.memory_space<vmem>> -> memref<1x1x128xi32, #tpu.memory_space<vmem>>
      %dma_start3A_433 = tpu.memref_squeeze %dma_start3A_432 : memref<1x1x128xi32, #tpu.memory_space<vmem>> -> memref<128xi32, #tpu.memory_space<vmem>>
      %dma_start3A_434 = arith.constant 0 : i32
      %dma_start3A_435 = arith.constant 0 : i32
      %dma_start3A_436 = tpu.memref_slice %arg5[%dma_start3A_434, %dma_start3A_435] : memref<30x128xf32, #tpu.memory_space<vmem_shared>> -> memref<30x128xf32, #tpu.memory_space<vmem_shared>>
      tpu.enqueue_indirect_dma source(%dma_start3A_436 : memref<30x128xf32, #tpu.memory_space<vmem_shared>>) target(%dma_start3A_430 : memref<128x128xf32, #tpu.memory_space<vmem>>) offsets(%dma_start3A_433 : memref<128xi32, #tpu.memory_space<vmem>>) semaphore(%arg10 : memref<!tpu.dma_semaphore, #tpu.memory_space<semaphore_mem>>)
      %dma_start3A_437 = arith.constant 5 : i32
      %dma_start3A_438 = arith.constant 1 : i32
      %dma_start3A_439 = arith.constant 128 : i32
      %dma_start3A_440 = arith.constant 0 : i32
      %dma_start3A_441 = tpu.memref_slice %arg7[%dma_start3A_438, %dma_start3A_439, %dma_start3A_440] : memref<4x200x128xf32, #tpu.memory_space<vmem>> -> memref<1x72x128xf32, #tpu.memory_space<vmem>>
      %dma_start3A_442 = tpu.memref_squeeze %dma_start3A_441 : memref<1x72x128xf32, #tpu.memory_space<vmem>> -> memref<72x128xf32, #tpu.memory_space<vmem>>
      %dma_start3A_443 = arith.constant 128 : i32
      %dma_start3A_444 = tpu.memref_slice %arg6[%rem3A_82, %dma_start3A_437, %dma_start3A_443] : memref<2x16x200xi32, #tpu.memory_space<vmem>> -> memref<1x1x72xi32, #tpu.memory_space<vmem>>
      %dma_start3A_445 = tpu.memref_squeeze %dma_start3A_444 : memref<1x1x72xi32, #tpu.memory_space<vmem>> -> memref<72xi32, #tpu.memory_space<vmem>>
      %dma_start3A_446 = arith.constant 0 : i32
      %dma_start3A_447 = arith.constant 0 : i32
      %dma_start3A_448 = tpu.memref_slice %arg5[%dma_start3A_446, %dma_start3A_447] : memref<30x128xf32, #tpu.memory_space<vmem_shared>> -> memref<30x128xf32, #tpu.memory_space<vmem_shared>>
      tpu.enqueue_indirect_dma source(%dma_start3A_448 : memref<30x128xf32, #tpu.memory_space<vmem_shared>>) target(%dma_start3A_442 : memref<72x128xf32, #tpu.memory_space<vmem>>) offsets(%dma_start3A_445 : memref<72xi32, #tpu.memory_space<vmem>>) semaphore(%arg10 : memref<!tpu.dma_semaphore, #tpu.memory_space<semaphore_mem>>)
      %dma_wait3A_449 = arith.constant 4 : i32
      %dma_wait3A_450 = arith.constant 0 : i32
      %dma_wait3A_451 = arith.constant 0 : i32
      %dma_wait3A_452 = arith.constant 0 : i32
      %dma_wait3A_453 = tpu.memref_slice %arg7[%dma_wait3A_450, %dma_wait3A_451, %dma_wait3A_452] : memref<4x200x128xf32, #tpu.memory_space<vmem>> -> memref<1x128x128xf32, #tpu.memory_space<vmem>>
      %dma_wait3A_454 = tpu.memref_squeeze %dma_wait3A_453 : memref<1x128x128xf32, #tpu.memory_space<vmem>> -> memref<128x128xf32, #tpu.memory_space<vmem>>
      %dma_wait3A_455 = arith.constant 0 : i32
      %dma_wait3A_456 = tpu.memref_slice %arg6[%rem3A_82, %dma_wait3A_449, %dma_wait3A_455] : memref<2x16x200xi32, #tpu.memory_space<vmem>> -> memref<1x1x128xi32, #tpu.memory_space<vmem>>
      %dma_wait3A_457 = tpu.memref_squeeze %dma_wait3A_456 : memref<1x1x128xi32, #tpu.memory_space<vmem>> -> memref<128xi32, #tpu.memory_space<vmem>>
      %dma_wait3A_458 = arith.constant 0 : i32
      %dma_wait3A_459 = arith.constant 0 : i32
      %dma_wait3A_460 = tpu.memref_slice %arg5[%dma_wait3A_458, %dma_wait3A_459] : memref<30x128xf32, #tpu.memory_space<vmem_shared>> -> memref<30x128xf32, #tpu.memory_space<vmem_shared>>
      tpu.wait_indirect_dma semaphore(%arg9 : memref<!tpu.dma_semaphore, #tpu.memory_space<semaphore_mem>>) src(%dma_wait3A_460 : memref<30x128xf32, #tpu.memory_space<vmem_shared>>) dst(%dma_wait3A_454 : memref<128x128xf32, #tpu.memory_space<vmem>>)
      %dma_wait3A_461 = arith.constant 4 : i32
      %dma_wait3A_462 = arith.constant 0 : i32
      %dma_wait3A_463 = arith.constant 128 : i32
      %dma_wait3A_464 = arith.constant 0 : i32
      %dma_wait3A_465 = tpu.memref_slice %arg7[%dma_wait3A_462, %dma_wait3A_463, %dma_wait3A_464] : memref<4x200x128xf32, #tpu.memory_space<vmem>> -> memref<1x72x128xf32, #tpu.memory_space<vmem>>
      %dma_wait3A_466 = tpu.memref_squeeze %dma_wait3A_465 : memref<1x72x128xf32, #tpu.memory_space<vmem>> -> memref<72x128xf32, #tpu.memory_space<vmem>>
      %dma_wait3A_467 = arith.constant 128 : i32
      %dma_wait3A_468 = tpu.memref_slice %arg6[%rem3A_82, %dma_wait3A_461, %dma_wait3A_467] : memref<2x16x200xi32, #tpu.memory_space<vmem>> -> memref<1x1x72xi32, #tpu.memory_space<vmem>>
      %dma_wait3A_469 = tpu.memref_squeeze %dma_wait3A_468 : memref<1x1x72xi32, #tpu.memory_space<vmem>> -> memref<72xi32, #tpu.memory_space<vmem>>
      %dma_wait3A_470 = arith.constant 0 : i32
      %dma_wait3A_471 = arith.constant 0 : i32
      %dma_wait3A_472 = tpu.memref_slice %arg5[%dma_wait3A_470, %dma_wait3A_471] : memref<30x128xf32, #tpu.memory_space<vmem_shared>> -> memref<30x128xf32, #tpu.memory_space<vmem_shared>>
      tpu.wait_indirect_dma semaphore(%arg9 : memref<!tpu.dma_semaphore, #tpu.memory_space<semaphore_mem>>) src(%dma_wait3A_472 : memref<30x128xf32, #tpu.memory_space<vmem_shared>>) dst(%dma_wait3A_466 : memref<72x128xf32, #tpu.memory_space<vmem>>)
      %add3A_473 = arith.constant 800 : i32
      %add3A_474 = arith.addi %mul3A_99, %add3A_473 : i32
      %dma_start3A_475 = arith.constant 0 : i32
      %dma_start3A_476 = arith.constant 0 : i32
      %dma_start3A_477 = arith.constant 0 : i32
      %dma_start3A_478 = tpu.memref_slice %arg7[%dma_start3A_475, %dma_start3A_476, %dma_start3A_477] : memref<4x200x128xf32, #tpu.memory_space<vmem>> -> memref<1x200x128xf32, #tpu.memory_space<vmem>>
      %dma_start3A_479 = tpu.memref_squeeze %dma_start3A_478 : memref<1x200x128xf32, #tpu.memory_space<vmem>> -> memref<200x128xf32, #tpu.memory_space<vmem>>
      %dma_start3A_480 = arith.constant 0 : i32
      %dma_start3A_481 = tpu.memref_slice %arg4[%add3A_474, %dma_start3A_480] : memref<3276800x128xf32, #tpu.memory_space<hbm>> -> memref<200x128xf32, #tpu.memory_space<hbm>>
      %dma_start3A_482 = arith.constant 0 : i32
      %dma_start3A_483 = tpu.memref_slice %arg4[%add3A_474, %dma_start3A_482] : memref<3276800x128xf32, #tpu.memory_space<hbm>> -> memref<200x128xf32, #tpu.memory_space<hbm>>
      %dma_start3A_484 = arith.constant 0 : i32
      %dma_start3A_485 = arith.constant 0 : i32
      %dma_start3A_486 = tpu.memref_slice %arg7[%dma_start3A_475, %dma_start3A_484, %dma_start3A_485] : memref<4x200x128xf32, #tpu.memory_space<vmem>> -> memref<1x200x128xf32, #tpu.memory_space<vmem>>
      %dma_start3A_487 = tpu.memref_squeeze %dma_start3A_486 : memref<1x200x128xf32, #tpu.memory_space<vmem>> -> memref<200x128xf32, #tpu.memory_space<vmem>>
      tpu.enqueue_dma source(%dma_start3A_487 : memref<200x128xf32, #tpu.memory_space<vmem>>) target(%dma_start3A_483 : memref<200x128xf32, #tpu.memory_space<hbm>>) target_semaphore(%arg13 : memref<!tpu.dma_semaphore, #tpu.memory_space<semaphore_mem>>)
      %mul3A_488 = arith.constant 200 : i32
      %mul3A_489 = arith.muli %mul3A_2, %mul3A_488 : i32
      %dma_wait3A_490 = arith.constant 2 : i32
      %dma_wait3A_491 = arith.constant 0 : i32
      %dma_wait3A_492 = arith.constant 0 : i32
      %dma_wait3A_493 = tpu.memref_slice %arg7[%dma_wait3A_490, %dma_wait3A_491, %dma_wait3A_492] : memref<4x200x128xf32, #tpu.memory_space<vmem>> -> memref<1x200x128xf32, #tpu.memory_space<vmem>>
      %dma_wait3A_494 = tpu.memref_squeeze %dma_wait3A_493 : memref<1x200x128xf32, #tpu.memory_space<vmem>> -> memref<200x128xf32, #tpu.memory_space<vmem>>
      %dma_wait3A_495 = arith.constant 0 : i32
      %dma_wait3A_496 = tpu.memref_slice %arg4[%mul3A_489, %dma_wait3A_495] : memref<3276800x128xf32, #tpu.memory_space<hbm>> -> memref<200x128xf32, #tpu.memory_space<hbm>>
      %dma_wait3A_497 = arith.constant 0 : i32
      %dma_wait3A_498 = tpu.memref_slice %arg4[%mul3A_489, %dma_wait3A_497] : memref<3276800x128xf32, #tpu.memory_space<hbm>> -> memref<200x128xf32, #tpu.memory_space<hbm>>
      %dma_wait3A_499 = arith.constant 0 : i32
      %dma_wait3A_500 = arith.constant 0 : i32
      %dma_wait3A_501 = tpu.memref_slice %arg7[%dma_wait3A_490, %dma_wait3A_499, %dma_wait3A_500] : memref<4x200x128xf32, #tpu.memory_space<vmem>> -> memref<1x200x128xf32, #tpu.memory_space<vmem>>
      %dma_wait3A_502 = tpu.memref_squeeze %dma_wait3A_501 : memref<1x200x128xf32, #tpu.memory_space<vmem>> -> memref<200x128xf32, #tpu.memory_space<vmem>>
      tpu.wait_dma2 semaphore(%arg15 : memref<!tpu.dma_semaphore, #tpu.memory_space<semaphore_mem>>) src(%dma_wait3A_502 : memref<200x128xf32, #tpu.memory_space<vmem>>) dst(%dma_wait3A_498 : memref<200x128xf32, #tpu.memory_space<hbm>>)
      %dma_start3A_503 = arith.constant 6 : i32
      %dma_start3A_504 = arith.constant 2 : i32
      %dma_start3A_505 = arith.constant 0 : i32
      %dma_start3A_506 = arith.constant 0 : i32
      %dma_start3A_507 = tpu.memref_slice %arg7[%dma_start3A_504, %dma_start3A_505, %dma_start3A_506] : memref<4x200x128xf32, #tpu.memory_space<vmem>> -> memref<1x128x128xf32, #tpu.memory_space<vmem>>
      %dma_start3A_508 = tpu.memref_squeeze %dma_start3A_507 : memref<1x128x128xf32, #tpu.memory_space<vmem>> -> memref<128x128xf32, #tpu.memory_space<vmem>>
      %dma_start3A_509 = arith.constant 0 : i32
      %dma_start3A_510 = tpu.memref_slice %arg6[%rem3A_82, %dma_start3A_503, %dma_start3A_509] : memref<2x16x200xi32, #tpu.memory_space<vmem>> -> memref<1x1x128xi32, #tpu.memory_space<vmem>>
      %dma_start3A_511 = tpu.memref_squeeze %dma_start3A_510 : memref<1x1x128xi32, #tpu.memory_space<vmem>> -> memref<128xi32, #tpu.memory_space<vmem>>
      %dma_start3A_512 = arith.constant 0 : i32
      %dma_start3A_513 = arith.constant 0 : i32
      %dma_start3A_514 = tpu.memref_slice %arg5[%dma_start3A_512, %dma_start3A_513] : memref<30x128xf32, #tpu.memory_space<vmem_shared>> -> memref<30x128xf32, #tpu.memory_space<vmem_shared>>
      tpu.enqueue_indirect_dma source(%dma_start3A_514 : memref<30x128xf32, #tpu.memory_space<vmem_shared>>) target(%dma_start3A_508 : memref<128x128xf32, #tpu.memory_space<vmem>>) offsets(%dma_start3A_511 : memref<128xi32, #tpu.memory_space<vmem>>) semaphore(%arg11 : memref<!tpu.dma_semaphore, #tpu.memory_space<semaphore_mem>>)
      %dma_start3A_515 = arith.constant 6 : i32
      %dma_start3A_516 = arith.constant 2 : i32
      %dma_start3A_517 = arith.constant 128 : i32
      %dma_start3A_518 = arith.constant 0 : i32
      %dma_start3A_519 = tpu.memref_slice %arg7[%dma_start3A_516, %dma_start3A_517, %dma_start3A_518] : memref<4x200x128xf32, #tpu.memory_space<vmem>> -> memref<1x72x128xf32, #tpu.memory_space<vmem>>
      %dma_start3A_520 = tpu.memref_squeeze %dma_start3A_519 : memref<1x72x128xf32, #tpu.memory_space<vmem>> -> memref<72x128xf32, #tpu.memory_space<vmem>>
      %dma_start3A_521 = arith.constant 128 : i32
      %dma_start3A_522 = tpu.memref_slice %arg6[%rem3A_82, %dma_start3A_515, %dma_start3A_521] : memref<2x16x200xi32, #tpu.memory_space<vmem>> -> memref<1x1x72xi32, #tpu.memory_space<vmem>>
      %dma_start3A_523 = tpu.memref_squeeze %dma_start3A_522 : memref<1x1x72xi32, #tpu.memory_space<vmem>> -> memref<72xi32, #tpu.memory_space<vmem>>
      %dma_start3A_524 = arith.constant 0 : i32
      %dma_start3A_525 = arith.constant 0 : i32
      %dma_start3A_526 = tpu.memref_slice %arg5[%dma_start3A_524, %dma_start3A_525] : memref<30x128xf32, #tpu.memory_space<vmem_shared>> -> memref<30x128xf32, #tpu.memory_space<vmem_shared>>
      tpu.enqueue_indirect_dma source(%dma_start3A_526 : memref<30x128xf32, #tpu.memory_space<vmem_shared>>) target(%dma_start3A_520 : memref<72x128xf32, #tpu.memory_space<vmem>>) offsets(%dma_start3A_523 : memref<72xi32, #tpu.memory_space<vmem>>) semaphore(%arg11 : memref<!tpu.dma_semaphore, #tpu.memory_space<semaphore_mem>>)
      %dma_wait3A_527 = arith.constant 5 : i32
      %dma_wait3A_528 = arith.constant 1 : i32
      %dma_wait3A_529 = arith.constant 0 : i32
      %dma_wait3A_530 = arith.constant 0 : i32
      %dma_wait3A_531 = tpu.memref_slice %arg7[%dma_wait3A_528, %dma_wait3A_529, %dma_wait3A_530] : memref<4x200x128xf32, #tpu.memory_space<vmem>> -> memref<1x128x128xf32, #tpu.memory_space<vmem>>
      %dma_wait3A_532 = tpu.memref_squeeze %dma_wait3A_531 : memref<1x128x128xf32, #tpu.memory_space<vmem>> -> memref<128x128xf32, #tpu.memory_space<vmem>>
      %dma_wait3A_533 = arith.constant 0 : i32
      %dma_wait3A_534 = tpu.memref_slice %arg6[%rem3A_82, %dma_wait3A_527, %dma_wait3A_533] : memref<2x16x200xi32, #tpu.memory_space<vmem>> -> memref<1x1x128xi32, #tpu.memory_space<vmem>>
      %dma_wait3A_535 = tpu.memref_squeeze %dma_wait3A_534 : memref<1x1x128xi32, #tpu.memory_space<vmem>> -> memref<128xi32, #tpu.memory_space<vmem>>
      %dma_wait3A_536 = arith.constant 0 : i32
      %dma_wait3A_537 = arith.constant 0 : i32
      %dma_wait3A_538 = tpu.memref_slice %arg5[%dma_wait3A_536, %dma_wait3A_537] : memref<30x128xf32, #tpu.memory_space<vmem_shared>> -> memref<30x128xf32, #tpu.memory_space<vmem_shared>>
      tpu.wait_indirect_dma semaphore(%arg10 : memref<!tpu.dma_semaphore, #tpu.memory_space<semaphore_mem>>) src(%dma_wait3A_538 : memref<30x128xf32, #tpu.memory_space<vmem_shared>>) dst(%dma_wait3A_532 : memref<128x128xf32, #tpu.memory_space<vmem>>)
      %dma_wait3A_539 = arith.constant 5 : i32
      %dma_wait3A_540 = arith.constant 1 : i32
      %dma_wait3A_541 = arith.constant 128 : i32
      %dma_wait3A_542 = arith.constant 0 : i32
      %dma_wait3A_543 = tpu.memref_slice %arg7[%dma_wait3A_540, %dma_wait3A_541, %dma_wait3A_542] : memref<4x200x128xf32, #tpu.memory_space<vmem>> -> memref<1x72x128xf32, #tpu.memory_space<vmem>>
      %dma_wait3A_544 = tpu.memref_squeeze %dma_wait3A_543 : memref<1x72x128xf32, #tpu.memory_space<vmem>> -> memref<72x128xf32, #tpu.memory_space<vmem>>
      %dma_wait3A_545 = arith.constant 128 : i32
      %dma_wait3A_546 = tpu.memref_slice %arg6[%rem3A_82, %dma_wait3A_539, %dma_wait3A_545] : memref<2x16x200xi32, #tpu.memory_space<vmem>> -> memref<1x1x72xi32, #tpu.memory_space<vmem>>
      %dma_wait3A_547 = tpu.memref_squeeze %dma_wait3A_546 : memref<1x1x72xi32, #tpu.memory_space<vmem>> -> memref<72xi32, #tpu.memory_space<vmem>>
      %dma_wait3A_548 = arith.constant 0 : i32
      %dma_wait3A_549 = arith.constant 0 : i32
      %dma_wait3A_550 = tpu.memref_slice %arg5[%dma_wait3A_548, %dma_wait3A_549] : memref<30x128xf32, #tpu.memory_space<vmem_shared>> -> memref<30x128xf32, #tpu.memory_space<vmem_shared>>
      tpu.wait_indirect_dma semaphore(%arg10 : memref<!tpu.dma_semaphore, #tpu.memory_space<semaphore_mem>>) src(%dma_wait3A_550 : memref<30x128xf32, #tpu.memory_space<vmem_shared>>) dst(%dma_wait3A_544 : memref<72x128xf32, #tpu.memory_space<vmem>>)
      %add3A_551 = arith.constant 1000 : i32
      %add3A_552 = arith.addi %mul3A_99, %add3A_551 : i32
      %dma_start3A_553 = arith.constant 1 : i32
      %dma_start3A_554 = arith.constant 0 : i32
      %dma_start3A_555 = arith.constant 0 : i32
      %dma_start3A_556 = tpu.memref_slice %arg7[%dma_start3A_553, %dma_start3A_554, %dma_start3A_555] : memref<4x200x128xf32, #tpu.memory_space<vmem>> -> memref<1x200x128xf32, #tpu.memory_space<vmem>>
      %dma_start3A_557 = tpu.memref_squeeze %dma_start3A_556 : memref<1x200x128xf32, #tpu.memory_space<vmem>> -> memref<200x128xf32, #tpu.memory_space<vmem>>
      %dma_start3A_558 = arith.constant 0 : i32
      %dma_start3A_559 = tpu.memref_slice %arg4[%add3A_552, %dma_start3A_558] : memref<3276800x128xf32, #tpu.memory_space<hbm>> -> memref<200x128xf32, #tpu.memory_space<hbm>>
      %dma_start3A_560 = arith.constant 0 : i32
      %dma_start3A_561 = tpu.memref_slice %arg4[%add3A_552, %dma_start3A_560] : memref<3276800x128xf32, #tpu.memory_space<hbm>> -> memref<200x128xf32, #tpu.memory_space<hbm>>
      %dma_start3A_562 = arith.constant 0 : i32
      %dma_start3A_563 = arith.constant 0 : i32
      %dma_start3A_564 = tpu.memref_slice %arg7[%dma_start3A_553, %dma_start3A_562, %dma_start3A_563] : memref<4x200x128xf32, #tpu.memory_space<vmem>> -> memref<1x200x128xf32, #tpu.memory_space<vmem>>
      %dma_start3A_565 = tpu.memref_squeeze %dma_start3A_564 : memref<1x200x128xf32, #tpu.memory_space<vmem>> -> memref<200x128xf32, #tpu.memory_space<vmem>>
      tpu.enqueue_dma source(%dma_start3A_565 : memref<200x128xf32, #tpu.memory_space<vmem>>) target(%dma_start3A_561 : memref<200x128xf32, #tpu.memory_space<hbm>>) target_semaphore(%arg14 : memref<!tpu.dma_semaphore, #tpu.memory_space<semaphore_mem>>)
      %mul3A_566 = arith.constant 200 : i32
      %mul3A_567 = arith.muli %mul3A_2, %mul3A_566 : i32
      %dma_wait3A_568 = arith.constant 3 : i32
      %dma_wait3A_569 = arith.constant 0 : i32
      %dma_wait3A_570 = arith.constant 0 : i32
      %dma_wait3A_571 = tpu.memref_slice %arg7[%dma_wait3A_568, %dma_wait3A_569, %dma_wait3A_570] : memref<4x200x128xf32, #tpu.memory_space<vmem>> -> memref<1x200x128xf32, #tpu.memory_space<vmem>>
      %dma_wait3A_572 = tpu.memref_squeeze %dma_wait3A_571 : memref<1x200x128xf32, #tpu.memory_space<vmem>> -> memref<200x128xf32, #tpu.memory_space<vmem>>
      %dma_wait3A_573 = arith.constant 0 : i32
      %dma_wait3A_574 = tpu.memref_slice %arg4[%mul3A_567, %dma_wait3A_573] : memref<3276800x128xf32, #tpu.memory_space<hbm>> -> memref<200x128xf32, #tpu.memory_space<hbm>>
      %dma_wait3A_575 = arith.constant 0 : i32
      %dma_wait3A_576 = tpu.memref_slice %arg4[%mul3A_567, %dma_wait3A_575] : memref<3276800x128xf32, #tpu.memory_space<hbm>> -> memref<200x128xf32, #tpu.memory_space<hbm>>
      %dma_wait3A_577 = arith.constant 0 : i32
      %dma_wait3A_578 = arith.constant 0 : i32
      %dma_wait3A_579 = tpu.memref_slice %arg7[%dma_wait3A_568, %dma_wait3A_577, %dma_wait3A_578] : memref<4x200x128xf32, #tpu.memory_space<vmem>> -> memref<1x200x128xf32, #tpu.memory_space<vmem>>
      %dma_wait3A_580 = tpu.memref_squeeze %dma_wait3A_579 : memref<1x200x128xf32, #tpu.memory_space<vmem>> -> memref<200x128xf32, #tpu.memory_space<vmem>>
      tpu.wait_dma2 semaphore(%arg16 : memref<!tpu.dma_semaphore, #tpu.memory_space<semaphore_mem>>) src(%dma_wait3A_580 : memref<200x128xf32, #tpu.memory_space<vmem>>) dst(%dma_wait3A_576 : memref<200x128xf32, #tpu.memory_space<hbm>>)
      %dma_start3A_581 = arith.constant 7 : i32
      %dma_start3A_582 = arith.constant 3 : i32
      %dma_start3A_583 = arith.constant 0 : i32
      %dma_start3A_584 = arith.constant 0 : i32
      %dma_start3A_585 = tpu.memref_slice %arg7[%dma_start3A_582, %dma_start3A_583, %dma_start3A_584] : memref<4x200x128xf32, #tpu.memory_space<vmem>> -> memref<1x128x128xf32, #tpu.memory_space<vmem>>
      %dma_start3A_586 = tpu.memref_squeeze %dma_start3A_585 : memref<1x128x128xf32, #tpu.memory_space<vmem>> -> memref<128x128xf32, #tpu.memory_space<vmem>>
      %dma_start3A_587 = arith.constant 0 : i32
      %dma_start3A_588 = tpu.memref_slice %arg6[%rem3A_82, %dma_start3A_581, %dma_start3A_587] : memref<2x16x200xi32, #tpu.memory_space<vmem>> -> memref<1x1x128xi32, #tpu.memory_space<vmem>>
      %dma_start3A_589 = tpu.memref_squeeze %dma_start3A_588 : memref<1x1x128xi32, #tpu.memory_space<vmem>> -> memref<128xi32, #tpu.memory_space<vmem>>
      %dma_start3A_590 = arith.constant 0 : i32
      %dma_start3A_591 = arith.constant 0 : i32
      %dma_start3A_592 = tpu.memref_slice %arg5[%dma_start3A_590, %dma_start3A_591] : memref<30x128xf32, #tpu.memory_space<vmem_shared>> -> memref<30x128xf32, #tpu.memory_space<vmem_shared>>
      tpu.enqueue_indirect_dma source(%dma_start3A_592 : memref<30x128xf32, #tpu.memory_space<vmem_shared>>) target(%dma_start3A_586 : memref<128x128xf32, #tpu.memory_space<vmem>>) offsets(%dma_start3A_589 : memref<128xi32, #tpu.memory_space<vmem>>) semaphore(%arg12 : memref<!tpu.dma_semaphore, #tpu.memory_space<semaphore_mem>>)
      %dma_start3A_593 = arith.constant 7 : i32
      %dma_start3A_594 = arith.constant 3 : i32
      %dma_start3A_595 = arith.constant 128 : i32
      %dma_start3A_596 = arith.constant 0 : i32
      %dma_start3A_597 = tpu.memref_slice %arg7[%dma_start3A_594, %dma_start3A_595, %dma_start3A_596] : memref<4x200x128xf32, #tpu.memory_space<vmem>> -> memref<1x72x128xf32, #tpu.memory_space<vmem>>
      %dma_start3A_598 = tpu.memref_squeeze %dma_start3A_597 : memref<1x72x128xf32, #tpu.memory_space<vmem>> -> memref<72x128xf32, #tpu.memory_space<vmem>>
      %dma_start3A_599 = arith.constant 128 : i32
      %dma_start3A_600 = tpu.memref_slice %arg6[%rem3A_82, %dma_start3A_593, %dma_start3A_599] : memref<2x16x200xi32, #tpu.memory_space<vmem>> -> memref<1x1x72xi32, #tpu.memory_space<vmem>>
      %dma_start3A_601 = tpu.memref_squeeze %dma_start3A_600 : memref<1x1x72xi32, #tpu.memory_space<vmem>> -> memref<72xi32, #tpu.memory_space<vmem>>
      %dma_start3A_602 = arith.constant 0 : i32
      %dma_start3A_603 = arith.constant 0 : i32
      %dma_start3A_604 = tpu.memref_slice %arg5[%dma_start3A_602, %dma_start3A_603] : memref<30x128xf32, #tpu.memory_space<vmem_shared>> -> memref<30x128xf32, #tpu.memory_space<vmem_shared>>
      tpu.enqueue_indirect_dma source(%dma_start3A_604 : memref<30x128xf32, #tpu.memory_space<vmem_shared>>) target(%dma_start3A_598 : memref<72x128xf32, #tpu.memory_space<vmem>>) offsets(%dma_start3A_601 : memref<72xi32, #tpu.memory_space<vmem>>) semaphore(%arg12 : memref<!tpu.dma_semaphore, #tpu.memory_space<semaphore_mem>>)
      %dma_wait3A_605 = arith.constant 6 : i32
      %dma_wait3A_606 = arith.constant 2 : i32
      %dma_wait3A_607 = arith.constant 0 : i32
      %dma_wait3A_608 = arith.constant 0 : i32
      %dma_wait3A_609 = tpu.memref_slice %arg7[%dma_wait3A_606, %dma_wait3A_607, %dma_wait3A_608] : memref<4x200x128xf32, #tpu.memory_space<vmem>> -> memref<1x128x128xf32, #tpu.memory_space<vmem>>
      %dma_wait3A_610 = tpu.memref_squeeze %dma_wait3A_609 : memref<1x128x128xf32, #tpu.memory_space<vmem>> -> memref<128x128xf32, #tpu.memory_space<vmem>>
      %dma_wait3A_611 = arith.constant 0 : i32
      %dma_wait3A_612 = tpu.memref_slice %arg6[%rem3A_82, %dma_wait3A_605, %dma_wait3A_611] : memref<2x16x200xi32, #tpu.memory_space<vmem>> -> memref<1x1x128xi32, #tpu.memory_space<vmem>>
      %dma_wait3A_613 = tpu.memref_squeeze %dma_wait3A_612 : memref<1x1x128xi32, #tpu.memory_space<vmem>> -> memref<128xi32, #tpu.memory_space<vmem>>
      %dma_wait3A_614 = arith.constant 0 : i32
      %dma_wait3A_615 = arith.constant 0 : i32
      %dma_wait3A_616 = tpu.memref_slice %arg5[%dma_wait3A_614, %dma_wait3A_615] : memref<30x128xf32, #tpu.memory_space<vmem_shared>> -> memref<30x128xf32, #tpu.memory_space<vmem_shared>>
      tpu.wait_indirect_dma semaphore(%arg11 : memref<!tpu.dma_semaphore, #tpu.memory_space<semaphore_mem>>) src(%dma_wait3A_616 : memref<30x128xf32, #tpu.memory_space<vmem_shared>>) dst(%dma_wait3A_610 : memref<128x128xf32, #tpu.memory_space<vmem>>)
      %dma_wait3A_617 = arith.constant 6 : i32
      %dma_wait3A_618 = arith.constant 2 : i32
      %dma_wait3A_619 = arith.constant 128 : i32
      %dma_wait3A_620 = arith.constant 0 : i32
      %dma_wait3A_621 = tpu.memref_slice %arg7[%dma_wait3A_618, %dma_wait3A_619, %dma_wait3A_620] : memref<4x200x128xf32, #tpu.memory_space<vmem>> -> memref<1x72x128xf32, #tpu.memory_space<vmem>>
      %dma_wait3A_622 = tpu.memref_squeeze %dma_wait3A_621 : memref<1x72x128xf32, #tpu.memory_space<vmem>> -> memref<72x128xf32, #tpu.memory_space<vmem>>
      %dma_wait3A_623 = arith.constant 128 : i32
      %dma_wait3A_624 = tpu.memref_slice %arg6[%rem3A_82, %dma_wait3A_617, %dma_wait3A_623] : memref<2x16x200xi32, #tpu.memory_space<vmem>> -> memref<1x1x72xi32, #tpu.memory_space<vmem>>
      %dma_wait3A_625 = tpu.memref_squeeze %dma_wait3A_624 : memref<1x1x72xi32, #tpu.memory_space<vmem>> -> memref<72xi32, #tpu.memory_space<vmem>>
      %dma_wait3A_626 = arith.constant 0 : i32
      %dma_wait3A_627 = arith.constant 0 : i32
      %dma_wait3A_628 = tpu.memref_slice %arg5[%dma_wait3A_626, %dma_wait3A_627] : memref<30x128xf32, #tpu.memory_space<vmem_shared>> -> memref<30x128xf32, #tpu.memory_space<vmem_shared>>
      tpu.wait_indirect_dma semaphore(%arg11 : memref<!tpu.dma_semaphore, #tpu.memory_space<semaphore_mem>>) src(%dma_wait3A_628 : memref<30x128xf32, #tpu.memory_space<vmem_shared>>) dst(%dma_wait3A_622 : memref<72x128xf32, #tpu.memory_space<vmem>>)
      %add3A_629 = arith.constant 1200 : i32
      %add3A_630 = arith.addi %mul3A_99, %add3A_629 : i32
      %dma_start3A_631 = arith.constant 2 : i32
      %dma_start3A_632 = arith.constant 0 : i32
      %dma_start3A_633 = arith.constant 0 : i32
      %dma_start3A_634 = tpu.memref_slice %arg7[%dma_start3A_631, %dma_start3A_632, %dma_start3A_633] : memref<4x200x128xf32, #tpu.memory_space<vmem>> -> memref<1x200x128xf32, #tpu.memory_space<vmem>>
      %dma_start3A_635 = tpu.memref_squeeze %dma_start3A_634 : memref<1x200x128xf32, #tpu.memory_space<vmem>> -> memref<200x128xf32, #tpu.memory_space<vmem>>
      %dma_start3A_636 = arith.constant 0 : i32
      %dma_start3A_637 = tpu.memref_slice %arg4[%add3A_630, %dma_start3A_636] : memref<3276800x128xf32, #tpu.memory_space<hbm>> -> memref<200x128xf32, #tpu.memory_space<hbm>>
      %dma_start3A_638 = arith.constant 0 : i32
      %dma_start3A_639 = tpu.memref_slice %arg4[%add3A_630, %dma_start3A_638] : memref<3276800x128xf32, #tpu.memory_space<hbm>> -> memref<200x128xf32, #tpu.memory_space<hbm>>
      %dma_start3A_640 = arith.constant 0 : i32
      %dma_start3A_641 = arith.constant 0 : i32
      %dma_start3A_642 = tpu.memref_slice %arg7[%dma_start3A_631, %dma_start3A_640, %dma_start3A_641] : memref<4x200x128xf32, #tpu.memory_space<vmem>> -> memref<1x200x128xf32, #tpu.memory_space<vmem>>
      %dma_start3A_643 = tpu.memref_squeeze %dma_start3A_642 : memref<1x200x128xf32, #tpu.memory_space<vmem>> -> memref<200x128xf32, #tpu.memory_space<vmem>>
      tpu.enqueue_dma source(%dma_start3A_643 : memref<200x128xf32, #tpu.memory_space<vmem>>) target(%dma_start3A_639 : memref<200x128xf32, #tpu.memory_space<hbm>>) target_semaphore(%arg15 : memref<!tpu.dma_semaphore, #tpu.memory_space<semaphore_mem>>)
      %mul3A_644 = arith.constant 200 : i32
      %mul3A_645 = arith.muli %mul3A_2, %mul3A_644 : i32
      %dma_wait3A_646 = arith.constant 0 : i32
      %dma_wait3A_647 = arith.constant 0 : i32
      %dma_wait3A_648 = arith.constant 0 : i32
      %dma_wait3A_649 = tpu.memref_slice %arg7[%dma_wait3A_646, %dma_wait3A_647, %dma_wait3A_648] : memref<4x200x128xf32, #tpu.memory_space<vmem>> -> memref<1x200x128xf32, #tpu.memory_space<vmem>>
      %dma_wait3A_650 = tpu.memref_squeeze %dma_wait3A_649 : memref<1x200x128xf32, #tpu.memory_space<vmem>> -> memref<200x128xf32, #tpu.memory_space<vmem>>
      %dma_wait3A_651 = arith.constant 0 : i32
      %dma_wait3A_652 = tpu.memref_slice %arg4[%mul3A_645, %dma_wait3A_651] : memref<3276800x128xf32, #tpu.memory_space<hbm>> -> memref<200x128xf32, #tpu.memory_space<hbm>>
      %dma_wait3A_653 = arith.constant 0 : i32
      %dma_wait3A_654 = tpu.memref_slice %arg4[%mul3A_645, %dma_wait3A_653] : memref<3276800x128xf32, #tpu.memory_space<hbm>> -> memref<200x128xf32, #tpu.memory_space<hbm>>
      %dma_wait3A_655 = arith.constant 0 : i32
      %dma_wait3A_656 = arith.constant 0 : i32
      %dma_wait3A_657 = tpu.memref_slice %arg7[%dma_wait3A_646, %dma_wait3A_655, %dma_wait3A_656] : memref<4x200x128xf32, #tpu.memory_space<vmem>> -> memref<1x200x128xf32, #tpu.memory_space<vmem>>
      %dma_wait3A_658 = tpu.memref_squeeze %dma_wait3A_657 : memref<1x200x128xf32, #tpu.memory_space<vmem>> -> memref<200x128xf32, #tpu.memory_space<vmem>>
      tpu.wait_dma2 semaphore(%arg13 : memref<!tpu.dma_semaphore, #tpu.memory_space<semaphore_mem>>) src(%dma_wait3A_658 : memref<200x128xf32, #tpu.memory_space<vmem>>) dst(%dma_wait3A_654 : memref<200x128xf32, #tpu.memory_space<hbm>>)
      %dma_start3A_659 = arith.constant 8 : i32
      %dma_start3A_660 = arith.constant 0 : i32
      %dma_start3A_661 = arith.constant 0 : i32
      %dma_start3A_662 = arith.constant 0 : i32
      %dma_start3A_663 = tpu.memref_slice %arg7[%dma_start3A_660, %dma_start3A_661, %dma_start3A_662] : memref<4x200x128xf32, #tpu.memory_space<vmem>> -> memref<1x128x128xf32, #tpu.memory_space<vmem>>
      %dma_start3A_664 = tpu.memref_squeeze %dma_start3A_663 : memref<1x128x128xf32, #tpu.memory_space<vmem>> -> memref<128x128xf32, #tpu.memory_space<vmem>>
      %dma_start3A_665 = arith.constant 0 : i32
      %dma_start3A_666 = tpu.memref_slice %arg6[%rem3A_82, %dma_start3A_659, %dma_start3A_665] : memref<2x16x200xi32, #tpu.memory_space<vmem>> -> memref<1x1x128xi32, #tpu.memory_space<vmem>>
      %dma_start3A_667 = tpu.memref_squeeze %dma_start3A_666 : memref<1x1x128xi32, #tpu.memory_space<vmem>> -> memref<128xi32, #tpu.memory_space<vmem>>
      %dma_start3A_668 = arith.constant 0 : i32
      %dma_start3A_669 = arith.constant 0 : i32
      %dma_start3A_670 = tpu.memref_slice %arg5[%dma_start3A_668, %dma_start3A_669] : memref<30x128xf32, #tpu.memory_space<vmem_shared>> -> memref<30x128xf32, #tpu.memory_space<vmem_shared>>
      tpu.enqueue_indirect_dma source(%dma_start3A_670 : memref<30x128xf32, #tpu.memory_space<vmem_shared>>) target(%dma_start3A_664 : memref<128x128xf32, #tpu.memory_space<vmem>>) offsets(%dma_start3A_667 : memref<128xi32, #tpu.memory_space<vmem>>) semaphore(%arg9 : memref<!tpu.dma_semaphore, #tpu.memory_space<semaphore_mem>>)
      %dma_start3A_671 = arith.constant 8 : i32
      %dma_start3A_672 = arith.constant 0 : i32
      %dma_start3A_673 = arith.constant 128 : i32
      %dma_start3A_674 = arith.constant 0 : i32
      %dma_start3A_675 = tpu.memref_slice %arg7[%dma_start3A_672, %dma_start3A_673, %dma_start3A_674] : memref<4x200x128xf32, #tpu.memory_space<vmem>> -> memref<1x72x128xf32, #tpu.memory_space<vmem>>
      %dma_start3A_676 = tpu.memref_squeeze %dma_start3A_675 : memref<1x72x128xf32, #tpu.memory_space<vmem>> -> memref<72x128xf32, #tpu.memory_space<vmem>>
      %dma_start3A_677 = arith.constant 128 : i32
      %dma_start3A_678 = tpu.memref_slice %arg6[%rem3A_82, %dma_start3A_671, %dma_start3A_677] : memref<2x16x200xi32, #tpu.memory_space<vmem>> -> memref<1x1x72xi32, #tpu.memory_space<vmem>>
      %dma_start3A_679 = tpu.memref_squeeze %dma_start3A_678 : memref<1x1x72xi32, #tpu.memory_space<vmem>> -> memref<72xi32, #tpu.memory_space<vmem>>
      %dma_start3A_680 = arith.constant 0 : i32
      %dma_start3A_681 = arith.constant 0 : i32
      %dma_start3A_682 = tpu.memref_slice %arg5[%dma_start3A_680, %dma_start3A_681] : memref<30x128xf32, #tpu.memory_space<vmem_shared>> -> memref<30x128xf32, #tpu.memory_space<vmem_shared>>
      tpu.enqueue_indirect_dma source(%dma_start3A_682 : memref<30x128xf32, #tpu.memory_space<vmem_shared>>) target(%dma_start3A_676 : memref<72x128xf32, #tpu.memory_space<vmem>>) offsets(%dma_start3A_679 : memref<72xi32, #tpu.memory_space<vmem>>) semaphore(%arg9 : memref<!tpu.dma_semaphore, #tpu.memory_space<semaphore_mem>>)
      %dma_wait3A_683 = arith.constant 7 : i32
      %dma_wait3A_684 = arith.constant 3 : i32
      %dma_wait3A_685 = arith.constant 0 : i32
      %dma_wait3A_686 = arith.constant 0 : i32
      %dma_wait3A_687 = tpu.memref_slice %arg7[%dma_wait3A_684, %dma_wait3A_685, %dma_wait3A_686] : memref<4x200x128xf32, #tpu.memory_space<vmem>> -> memref<1x128x128xf32, #tpu.memory_space<vmem>>
      %dma_wait3A_688 = tpu.memref_squeeze %dma_wait3A_687 : memref<1x128x128xf32, #tpu.memory_space<vmem>> -> memref<128x128xf32, #tpu.memory_space<vmem>>
      %dma_wait3A_689 = arith.constant 0 : i32
      %dma_wait3A_690 = tpu.memref_slice %arg6[%rem3A_82, %dma_wait3A_683, %dma_wait3A_689] : memref<2x16x200xi32, #tpu.memory_space<vmem>> -> memref<1x1x128xi32, #tpu.memory_space<vmem>>
      %dma_wait3A_691 = tpu.memref_squeeze %dma_wait3A_690 : memref<1x1x128xi32, #tpu.memory_space<vmem>> -> memref<128xi32, #tpu.memory_space<vmem>>
      %dma_wait3A_692 = arith.constant 0 : i32
      %dma_wait3A_693 = arith.constant 0 : i32
      %dma_wait3A_694 = tpu.memref_slice %arg5[%dma_wait3A_692, %dma_wait3A_693] : memref<30x128xf32, #tpu.memory_space<vmem_shared>> -> memref<30x128xf32, #tpu.memory_space<vmem_shared>>
      tpu.wait_indirect_dma semaphore(%arg12 : memref<!tpu.dma_semaphore, #tpu.memory_space<semaphore_mem>>) src(%dma_wait3A_694 : memref<30x128xf32, #tpu.memory_space<vmem_shared>>) dst(%dma_wait3A_688 : memref<128x128xf32, #tpu.memory_space<vmem>>)
      %dma_wait3A_695 = arith.constant 7 : i32
      %dma_wait3A_696 = arith.constant 3 : i32
      %dma_wait3A_697 = arith.constant 128 : i32
      %dma_wait3A_698 = arith.constant 0 : i32
      %dma_wait3A_699 = tpu.memref_slice %arg7[%dma_wait3A_696, %dma_wait3A_697, %dma_wait3A_698] : memref<4x200x128xf32, #tpu.memory_space<vmem>> -> memref<1x72x128xf32, #tpu.memory_space<vmem>>
      %dma_wait3A_700 = tpu.memref_squeeze %dma_wait3A_699 : memref<1x72x128xf32, #tpu.memory_space<vmem>> -> memref<72x128xf32, #tpu.memory_space<vmem>>
      %dma_wait3A_701 = arith.constant 128 : i32
      %dma_wait3A_702 = tpu.memref_slice %arg6[%rem3A_82, %dma_wait3A_695, %dma_wait3A_701] : memref<2x16x200xi32, #tpu.memory_space<vmem>> -> memref<1x1x72xi32, #tpu.memory_space<vmem>>
      %dma_wait3A_703 = tpu.memref_squeeze %dma_wait3A_702 : memref<1x1x72xi32, #tpu.memory_space<vmem>> -> memref<72xi32, #tpu.memory_space<vmem>>
      %dma_wait3A_704 = arith.constant 0 : i32
      %dma_wait3A_705 = arith.constant 0 : i32
      %dma_wait3A_706 = tpu.memref_slice %arg5[%dma_wait3A_704, %dma_wait3A_705] : memref<30x128xf32, #tpu.memory_space<vmem_shared>> -> memref<30x128xf32, #tpu.memory_space<vmem_shared>>
      tpu.wait_indirect_dma semaphore(%arg12 : memref<!tpu.dma_semaphore, #tpu.memory_space<semaphore_mem>>) src(%dma_wait3A_706 : memref<30x128xf32, #tpu.memory_space<vmem_shared>>) dst(%dma_wait3A_700 : memref<72x128xf32, #tpu.memory_space<vmem>>)
      %add3A_707 = arith.constant 1400 : i32
      %add3A_708 = arith.addi %mul3A_99, %add3A_707 : i32
      %dma_start3A_709 = arith.constant 3 : i32
      %dma_start3A_710 = arith.constant 0 : i32
      %dma_start3A_711 = arith.constant 0 : i32
      %dma_start3A_712 = tpu.memref_slice %arg7[%dma_start3A_709, %dma_start3A_710, %dma_start3A_711] : memref<4x200x128xf32, #tpu.memory_space<vmem>> -> memref<1x200x128xf32, #tpu.memory_space<vmem>>
      %dma_start3A_713 = tpu.memref_squeeze %dma_start3A_712 : memref<1x200x128xf32, #tpu.memory_space<vmem>> -> memref<200x128xf32, #tpu.memory_space<vmem>>
      %dma_start3A_714 = arith.constant 0 : i32
      %dma_start3A_715 = tpu.memref_slice %arg4[%add3A_708, %dma_start3A_714] : memref<3276800x128xf32, #tpu.memory_space<hbm>> -> memref<200x128xf32, #tpu.memory_space<hbm>>
      %dma_start3A_716 = arith.constant 0 : i32
      %dma_start3A_717 = tpu.memref_slice %arg4[%add3A_708, %dma_start3A_716] : memref<3276800x128xf32, #tpu.memory_space<hbm>> -> memref<200x128xf32, #tpu.memory_space<hbm>>
      %dma_start3A_718 = arith.constant 0 : i32
      %dma_start3A_719 = arith.constant 0 : i32
      %dma_start3A_720 = tpu.memref_slice %arg7[%dma_start3A_709, %dma_start3A_718, %dma_start3A_719] : memref<4x200x128xf32, #tpu.memory_space<vmem>> -> memref<1x200x128xf32, #tpu.memory_space<vmem>>
      %dma_start3A_721 = tpu.memref_squeeze %dma_start3A_720 : memref<1x200x128xf32, #tpu.memory_space<vmem>> -> memref<200x128xf32, #tpu.memory_space<vmem>>
      tpu.enqueue_dma source(%dma_start3A_721 : memref<200x128xf32, #tpu.memory_space<vmem>>) target(%dma_start3A_717 : memref<200x128xf32, #tpu.memory_space<hbm>>) target_semaphore(%arg16 : memref<!tpu.dma_semaphore, #tpu.memory_space<semaphore_mem>>)
      %mul3A_722 = arith.constant 200 : i32
      %mul3A_723 = arith.muli %mul3A_2, %mul3A_722 : i32
      %dma_wait3A_724 = arith.constant 1 : i32
      %dma_wait3A_725 = arith.constant 0 : i32
      %dma_wait3A_726 = arith.constant 0 : i32
      %dma_wait3A_727 = tpu.memref_slice %arg7[%dma_wait3A_724, %dma_wait3A_725, %dma_wait3A_726] : memref<4x200x128xf32, #tpu.memory_space<vmem>> -> memref<1x200x128xf32, #tpu.memory_space<vmem>>
      %dma_wait3A_728 = tpu.memref_squeeze %dma_wait3A_727 : memref<1x200x128xf32, #tpu.memory_space<vmem>> -> memref<200x128xf32, #tpu.memory_space<vmem>>
      %dma_wait3A_729 = arith.constant 0 : i32
      %dma_wait3A_730 = tpu.memref_slice %arg4[%mul3A_723, %dma_wait3A_729] : memref<3276800x128xf32, #tpu.memory_space<hbm>> -> memref<200x128xf32, #tpu.memory_space<hbm>>
      %dma_wait3A_731 = arith.constant 0 : i32
      %dma_wait3A_732 = tpu.memref_slice %arg4[%mul3A_723, %dma_wait3A_731] : memref<3276800x128xf32, #tpu.memory_space<hbm>> -> memref<200x128xf32, #tpu.memory_space<hbm>>
      %dma_wait3A_733 = arith.constant 0 : i32
      %dma_wait3A_734 = arith.constant 0 : i32
      %dma_wait3A_735 = tpu.memref_slice %arg7[%dma_wait3A_724, %dma_wait3A_733, %dma_wait3A_734] : memref<4x200x128xf32, #tpu.memory_space<vmem>> -> memref<1x200x128xf32, #tpu.memory_space<vmem>>
      %dma_wait3A_736 = tpu.memref_squeeze %dma_wait3A_735 : memref<1x200x128xf32, #tpu.memory_space<vmem>> -> memref<200x128xf32, #tpu.memory_space<vmem>>
      tpu.wait_dma2 semaphore(%arg14 : memref<!tpu.dma_semaphore, #tpu.memory_space<semaphore_mem>>) src(%dma_wait3A_736 : memref<200x128xf32, #tpu.memory_space<vmem>>) dst(%dma_wait3A_732 : memref<200x128xf32, #tpu.memory_space<hbm>>)
      %dma_start3A_737 = arith.constant 9 : i32
      %dma_start3A_738 = arith.constant 1 : i32
      %dma_start3A_739 = arith.constant 0 : i32
      %dma_start3A_740 = arith.constant 0 : i32
      %dma_start3A_741 = tpu.memref_slice %arg7[%dma_start3A_738, %dma_start3A_739, %dma_start3A_740] : memref<4x200x128xf32, #tpu.memory_space<vmem>> -> memref<1x128x128xf32, #tpu.memory_space<vmem>>
      %dma_start3A_742 = tpu.memref_squeeze %dma_start3A_741 : memref<1x128x128xf32, #tpu.memory_space<vmem>> -> memref<128x128xf32, #tpu.memory_space<vmem>>
      %dma_start3A_743 = arith.constant 0 : i32
      %dma_start3A_744 = tpu.memref_slice %arg6[%rem3A_82, %dma_start3A_737, %dma_start3A_743] : memref<2x16x200xi32, #tpu.memory_space<vmem>> -> memref<1x1x128xi32, #tpu.memory_space<vmem>>
      %dma_start3A_745 = tpu.memref_squeeze %dma_start3A_744 : memref<1x1x128xi32, #tpu.memory_space<vmem>> -> memref<128xi32, #tpu.memory_space<vmem>>
      %dma_start3A_746 = arith.constant 0 : i32
      %dma_start3A_747 = arith.constant 0 : i32
      %dma_start3A_748 = tpu.memref_slice %arg5[%dma_start3A_746, %dma_start3A_747] : memref<30x128xf32, #tpu.memory_space<vmem_shared>> -> memref<30x128xf32, #tpu.memory_space<vmem_shared>>
      tpu.enqueue_indirect_dma source(%dma_start3A_748 : memref<30x128xf32, #tpu.memory_space<vmem_shared>>) target(%dma_start3A_742 : memref<128x128xf32, #tpu.memory_space<vmem>>) offsets(%dma_start3A_745 : memref<128xi32, #tpu.memory_space<vmem>>) semaphore(%arg10 : memref<!tpu.dma_semaphore, #tpu.memory_space<semaphore_mem>>)
      %dma_start3A_749 = arith.constant 9 : i32
      %dma_start3A_750 = arith.constant 1 : i32
      %dma_start3A_751 = arith.constant 128 : i32
      %dma_start3A_752 = arith.constant 0 : i32
      %dma_start3A_753 = tpu.memref_slice %arg7[%dma_start3A_750, %dma_start3A_751, %dma_start3A_752] : memref<4x200x128xf32, #tpu.memory_space<vmem>> -> memref<1x72x128xf32, #tpu.memory_space<vmem>>
      %dma_start3A_754 = tpu.memref_squeeze %dma_start3A_753 : memref<1x72x128xf32, #tpu.memory_space<vmem>> -> memref<72x128xf32, #tpu.memory_space<vmem>>
      %dma_start3A_755 = arith.constant 128 : i32
      %dma_start3A_756 = tpu.memref_slice %arg6[%rem3A_82, %dma_start3A_749, %dma_start3A_755] : memref<2x16x200xi32, #tpu.memory_space<vmem>> -> memref<1x1x72xi32, #tpu.memory_space<vmem>>
      %dma_start3A_757 = tpu.memref_squeeze %dma_start3A_756 : memref<1x1x72xi32, #tpu.memory_space<vmem>> -> memref<72xi32, #tpu.memory_space<vmem>>
      %dma_start3A_758 = arith.constant 0 : i32
      %dma_start3A_759 = arith.constant 0 : i32
      %dma_start3A_760 = tpu.memref_slice %arg5[%dma_start3A_758, %dma_start3A_759] : memref<30x128xf32, #tpu.memory_space<vmem_shared>> -> memref<30x128xf32, #tpu.memory_space<vmem_shared>>
      tpu.enqueue_indirect_dma source(%dma_start3A_760 : memref<30x128xf32, #tpu.memory_space<vmem_shared>>) target(%dma_start3A_754 : memref<72x128xf32, #tpu.memory_space<vmem>>) offsets(%dma_start3A_757 : memref<72xi32, #tpu.memory_space<vmem>>) semaphore(%arg10 : memref<!tpu.dma_semaphore, #tpu.memory_space<semaphore_mem>>)
      %dma_wait3A_761 = arith.constant 8 : i32
      %dma_wait3A_762 = arith.constant 0 : i32
      %dma_wait3A_763 = arith.constant 0 : i32
      %dma_wait3A_764 = arith.constant 0 : i32
      %dma_wait3A_765 = tpu.memref_slice %arg7[%dma_wait3A_762, %dma_wait3A_763, %dma_wait3A_764] : memref<4x200x128xf32, #tpu.memory_space<vmem>> -> memref<1x128x128xf32, #tpu.memory_space<vmem>>
      %dma_wait3A_766 = tpu.memref_squeeze %dma_wait3A_765 : memref<1x128x128xf32, #tpu.memory_space<vmem>> -> memref<128x128xf32, #tpu.memory_space<vmem>>
      %dma_wait3A_767 = arith.constant 0 : i32
      %dma_wait3A_768 = tpu.memref_slice %arg6[%rem3A_82, %dma_wait3A_761, %dma_wait3A_767] : memref<2x16x200xi32, #tpu.memory_space<vmem>> -> memref<1x1x128xi32, #tpu.memory_space<vmem>>
      %dma_wait3A_769 = tpu.memref_squeeze %dma_wait3A_768 : memref<1x1x128xi32, #tpu.memory_space<vmem>> -> memref<128xi32, #tpu.memory_space<vmem>>
      %dma_wait3A_770 = arith.constant 0 : i32
      %dma_wait3A_771 = arith.constant 0 : i32
      %dma_wait3A_772 = tpu.memref_slice %arg5[%dma_wait3A_770, %dma_wait3A_771] : memref<30x128xf32, #tpu.memory_space<vmem_shared>> -> memref<30x128xf32, #tpu.memory_space<vmem_shared>>
      tpu.wait_indirect_dma semaphore(%arg9 : memref<!tpu.dma_semaphore, #tpu.memory_space<semaphore_mem>>) src(%dma_wait3A_772 : memref<30x128xf32, #tpu.memory_space<vmem_shared>>) dst(%dma_wait3A_766 : memref<128x128xf32, #tpu.memory_space<vmem>>)
      %dma_wait3A_773 = arith.constant 8 : i32
      %dma_wait3A_774 = arith.constant 0 : i32
      %dma_wait3A_775 = arith.constant 128 : i32
      %dma_wait3A_776 = arith.constant 0 : i32
      %dma_wait3A_777 = tpu.memref_slice %arg7[%dma_wait3A_774, %dma_wait3A_775, %dma_wait3A_776] : memref<4x200x128xf32, #tpu.memory_space<vmem>> -> memref<1x72x128xf32, #tpu.memory_space<vmem>>
      %dma_wait3A_778 = tpu.memref_squeeze %dma_wait3A_777 : memref<1x72x128xf32, #tpu.memory_space<vmem>> -> memref<72x128xf32, #tpu.memory_space<vmem>>
      %dma_wait3A_779 = arith.constant 128 : i32
      %dma_wait3A_780 = tpu.memref_slice %arg6[%rem3A_82, %dma_wait3A_773, %dma_wait3A_779] : memref<2x16x200xi32, #tpu.memory_space<vmem>> -> memref<1x1x72xi32, #tpu.memory_space<vmem>>
      %dma_wait3A_781 = tpu.memref_squeeze %dma_wait3A_780 : memref<1x1x72xi32, #tpu.memory_space<vmem>> -> memref<72xi32, #tpu.memory_space<vmem>>
      %dma_wait3A_782 = arith.constant 0 : i32
      %dma_wait3A_783 = arith.constant 0 : i32
      %dma_wait3A_784 = tpu.memref_slice %arg5[%dma_wait3A_782, %dma_wait3A_783] : memref<30x128xf32, #tpu.memory_space<vmem_shared>> -> memref<30x128xf32, #tpu.memory_space<vmem_shared>>
      tpu.wait_indirect_dma semaphore(%arg9 : memref<!tpu.dma_semaphore, #tpu.memory_space<semaphore_mem>>) src(%dma_wait3A_784 : memref<30x128xf32, #tpu.memory_space<vmem_shared>>) dst(%dma_wait3A_778 : memref<72x128xf32, #tpu.memory_space<vmem>>)
      %add3A_785 = arith.constant 1600 : i32
      %add3A_786 = arith.addi %mul3A_99, %add3A_785 : i32
      %dma_start3A_787 = arith.constant 0 : i32
      %dma_start3A_788 = arith.constant 0 : i32
      %dma_start3A_789 = arith.constant 0 : i32
      %dma_start3A_790 = tpu.memref_slice %arg7[%dma_start3A_787, %dma_start3A_788, %dma_start3A_789] : memref<4x200x128xf32, #tpu.memory_space<vmem>> -> memref<1x200x128xf32, #tpu.memory_space<vmem>>
      %dma_start3A_791 = tpu.memref_squeeze %dma_start3A_790 : memref<1x200x128xf32, #tpu.memory_space<vmem>> -> memref<200x128xf32, #tpu.memory_space<vmem>>
      %dma_start3A_792 = arith.constant 0 : i32
      %dma_start3A_793 = tpu.memref_slice %arg4[%add3A_786, %dma_start3A_792] : memref<3276800x128xf32, #tpu.memory_space<hbm>> -> memref<200x128xf32, #tpu.memory_space<hbm>>
      %dma_start3A_794 = arith.constant 0 : i32
      %dma_start3A_795 = tpu.memref_slice %arg4[%add3A_786, %dma_start3A_794] : memref<3276800x128xf32, #tpu.memory_space<hbm>> -> memref<200x128xf32, #tpu.memory_space<hbm>>
      %dma_start3A_796 = arith.constant 0 : i32
      %dma_start3A_797 = arith.constant 0 : i32
      %dma_start3A_798 = tpu.memref_slice %arg7[%dma_start3A_787, %dma_start3A_796, %dma_start3A_797] : memref<4x200x128xf32, #tpu.memory_space<vmem>> -> memref<1x200x128xf32, #tpu.memory_space<vmem>>
      %dma_start3A_799 = tpu.memref_squeeze %dma_start3A_798 : memref<1x200x128xf32, #tpu.memory_space<vmem>> -> memref<200x128xf32, #tpu.memory_space<vmem>>
      tpu.enqueue_dma source(%dma_start3A_799 : memref<200x128xf32, #tpu.memory_space<vmem>>) target(%dma_start3A_795 : memref<200x128xf32, #tpu.memory_space<hbm>>) target_semaphore(%arg13 : memref<!tpu.dma_semaphore, #tpu.memory_space<semaphore_mem>>)
      %mul3A_800 = arith.constant 200 : i32
      %mul3A_801 = arith.muli %mul3A_2, %mul3A_800 : i32
      %dma_wait3A_802 = arith.constant 2 : i32
      %dma_wait3A_803 = arith.constant 0 : i32
      %dma_wait3A_804 = arith.constant 0 : i32
      %dma_wait3A_805 = tpu.memref_slice %arg7[%dma_wait3A_802, %dma_wait3A_803, %dma_wait3A_804] : memref<4x200x128xf32, #tpu.memory_space<vmem>> -> memref<1x200x128xf32, #tpu.memory_space<vmem>>
      %dma_wait3A_806 = tpu.memref_squeeze %dma_wait3A_805 : memref<1x200x128xf32, #tpu.memory_space<vmem>> -> memref<200x128xf32, #tpu.memory_space<vmem>>
      %dma_wait3A_807 = arith.constant 0 : i32
      %dma_wait3A_808 = tpu.memref_slice %arg4[%mul3A_801, %dma_wait3A_807] : memref<3276800x128xf32, #tpu.memory_space<hbm>> -> memref<200x128xf32, #tpu.memory_space<hbm>>
      %dma_wait3A_809 = arith.constant 0 : i32
      %dma_wait3A_810 = tpu.memref_slice %arg4[%mul3A_801, %dma_wait3A_809] : memref<3276800x128xf32, #tpu.memory_space<hbm>> -> memref<200x128xf32, #tpu.memory_space<hbm>>
      %dma_wait3A_811 = arith.constant 0 : i32
      %dma_wait3A_812 = arith.constant 0 : i32
      %dma_wait3A_813 = tpu.memref_slice %arg7[%dma_wait3A_802, %dma_wait3A_811, %dma_wait3A_812] : memref<4x200x128xf32, #tpu.memory_space<vmem>> -> memref<1x200x128xf32, #tpu.memory_space<vmem>>
      %dma_wait3A_814 = tpu.memref_squeeze %dma_wait3A_813 : memref<1x200x128xf32, #tpu.memory_space<vmem>> -> memref<200x128xf32, #tpu.memory_space<vmem>>
      tpu.wait_dma2 semaphore(%arg15 : memref<!tpu.dma_semaphore, #tpu.memory_space<semaphore_mem>>) src(%dma_wait3A_814 : memref<200x128xf32, #tpu.memory_space<vmem>>) dst(%dma_wait3A_810 : memref<200x128xf32, #tpu.memory_space<hbm>>)
      %dma_start3A_815 = arith.constant 10 : i32
      %dma_start3A_816 = arith.constant 2 : i32
      %dma_start3A_817 = arith.constant 0 : i32
      %dma_start3A_818 = arith.constant 0 : i32
      %dma_start3A_819 = tpu.memref_slice %arg7[%dma_start3A_816, %dma_start3A_817, %dma_start3A_818] : memref<4x200x128xf32, #tpu.memory_space<vmem>> -> memref<1x128x128xf32, #tpu.memory_space<vmem>>
      %dma_start3A_820 = tpu.memref_squeeze %dma_start3A_819 : memref<1x128x128xf32, #tpu.memory_space<vmem>> -> memref<128x128xf32, #tpu.memory_space<vmem>>
      %dma_start3A_821 = arith.constant 0 : i32
      %dma_start3A_822 = tpu.memref_slice %arg6[%rem3A_82, %dma_start3A_815, %dma_start3A_821] : memref<2x16x200xi32, #tpu.memory_space<vmem>> -> memref<1x1x128xi32, #tpu.memory_space<vmem>>
      %dma_start3A_823 = tpu.memref_squeeze %dma_start3A_822 : memref<1x1x128xi32, #tpu.memory_space<vmem>> -> memref<128xi32, #tpu.memory_space<vmem>>
      %dma_start3A_824 = arith.constant 0 : i32
      %dma_start3A_825 = arith.constant 0 : i32
      %dma_start3A_826 = tpu.memref_slice %arg5[%dma_start3A_824, %dma_start3A_825] : memref<30x128xf32, #tpu.memory_space<vmem_shared>> -> memref<30x128xf32, #tpu.memory_space<vmem_shared>>
      tpu.enqueue_indirect_dma source(%dma_start3A_826 : memref<30x128xf32, #tpu.memory_space<vmem_shared>>) target(%dma_start3A_820 : memref<128x128xf32, #tpu.memory_space<vmem>>) offsets(%dma_start3A_823 : memref<128xi32, #tpu.memory_space<vmem>>) semaphore(%arg11 : memref<!tpu.dma_semaphore, #tpu.memory_space<semaphore_mem>>)
      %dma_start3A_827 = arith.constant 10 : i32
      %dma_start3A_828 = arith.constant 2 : i32
      %dma_start3A_829 = arith.constant 128 : i32
      %dma_start3A_830 = arith.constant 0 : i32
      %dma_start3A_831 = tpu.memref_slice %arg7[%dma_start3A_828, %dma_start3A_829, %dma_start3A_830] : memref<4x200x128xf32, #tpu.memory_space<vmem>> -> memref<1x72x128xf32, #tpu.memory_space<vmem>>
      %dma_start3A_832 = tpu.memref_squeeze %dma_start3A_831 : memref<1x72x128xf32, #tpu.memory_space<vmem>> -> memref<72x128xf32, #tpu.memory_space<vmem>>
      %dma_start3A_833 = arith.constant 128 : i32
      %dma_start3A_834 = tpu.memref_slice %arg6[%rem3A_82, %dma_start3A_827, %dma_start3A_833] : memref<2x16x200xi32, #tpu.memory_space<vmem>> -> memref<1x1x72xi32, #tpu.memory_space<vmem>>
      %dma_start3A_835 = tpu.memref_squeeze %dma_start3A_834 : memref<1x1x72xi32, #tpu.memory_space<vmem>> -> memref<72xi32, #tpu.memory_space<vmem>>
      %dma_start3A_836 = arith.constant 0 : i32
      %dma_start3A_837 = arith.constant 0 : i32
      %dma_start3A_838 = tpu.memref_slice %arg5[%dma_start3A_836, %dma_start3A_837] : memref<30x128xf32, #tpu.memory_space<vmem_shared>> -> memref<30x128xf32, #tpu.memory_space<vmem_shared>>
      tpu.enqueue_indirect_dma source(%dma_start3A_838 : memref<30x128xf32, #tpu.memory_space<vmem_shared>>) target(%dma_start3A_832 : memref<72x128xf32, #tpu.memory_space<vmem>>) offsets(%dma_start3A_835 : memref<72xi32, #tpu.memory_space<vmem>>) semaphore(%arg11 : memref<!tpu.dma_semaphore, #tpu.memory_space<semaphore_mem>>)
      %dma_wait3A_839 = arith.constant 9 : i32
      %dma_wait3A_840 = arith.constant 1 : i32
      %dma_wait3A_841 = arith.constant 0 : i32
      %dma_wait3A_842 = arith.constant 0 : i32
      %dma_wait3A_843 = tpu.memref_slice %arg7[%dma_wait3A_840, %dma_wait3A_841, %dma_wait3A_842] : memref<4x200x128xf32, #tpu.memory_space<vmem>> -> memref<1x128x128xf32, #tpu.memory_space<vmem>>
      %dma_wait3A_844 = tpu.memref_squeeze %dma_wait3A_843 : memref<1x128x128xf32, #tpu.memory_space<vmem>> -> memref<128x128xf32, #tpu.memory_space<vmem>>
      %dma_wait3A_845 = arith.constant 0 : i32
      %dma_wait3A_846 = tpu.memref_slice %arg6[%rem3A_82, %dma_wait3A_839, %dma_wait3A_845] : memref<2x16x200xi32, #tpu.memory_space<vmem>> -> memref<1x1x128xi32, #tpu.memory_space<vmem>>
      %dma_wait3A_847 = tpu.memref_squeeze %dma_wait3A_846 : memref<1x1x128xi32, #tpu.memory_space<vmem>> -> memref<128xi32, #tpu.memory_space<vmem>>
      %dma_wait3A_848 = arith.constant 0 : i32
      %dma_wait3A_849 = arith.constant 0 : i32
      %dma_wait3A_850 = tpu.memref_slice %arg5[%dma_wait3A_848, %dma_wait3A_849] : memref<30x128xf32, #tpu.memory_space<vmem_shared>> -> memref<30x128xf32, #tpu.memory_space<vmem_shared>>
      tpu.wait_indirect_dma semaphore(%arg10 : memref<!tpu.dma_semaphore, #tpu.memory_space<semaphore_mem>>) src(%dma_wait3A_850 : memref<30x128xf32, #tpu.memory_space<vmem_shared>>) dst(%dma_wait3A_844 : memref<128x128xf32, #tpu.memory_space<vmem>>)
      %dma_wait3A_851 = arith.constant 9 : i32
      %dma_wait3A_852 = arith.constant 1 : i32
      %dma_wait3A_853 = arith.constant 128 : i32
      %dma_wait3A_854 = arith.constant 0 : i32
      %dma_wait3A_855 = tpu.memref_slice %arg7[%dma_wait3A_852, %dma_wait3A_853, %dma_wait3A_854] : memref<4x200x128xf32, #tpu.memory_space<vmem>> -> memref<1x72x128xf32, #tpu.memory_space<vmem>>
      %dma_wait3A_856 = tpu.memref_squeeze %dma_wait3A_855 : memref<1x72x128xf32, #tpu.memory_space<vmem>> -> memref<72x128xf32, #tpu.memory_space<vmem>>
      %dma_wait3A_857 = arith.constant 128 : i32
      %dma_wait3A_858 = tpu.memref_slice %arg6[%rem3A_82, %dma_wait3A_851, %dma_wait3A_857] : memref<2x16x200xi32, #tpu.memory_space<vmem>> -> memref<1x1x72xi32, #tpu.memory_space<vmem>>
      %dma_wait3A_859 = tpu.memref_squeeze %dma_wait3A_858 : memref<1x1x72xi32, #tpu.memory_space<vmem>> -> memref<72xi32, #tpu.memory_space<vmem>>
      %dma_wait3A_860 = arith.constant 0 : i32
      %dma_wait3A_861 = arith.constant 0 : i32
      %dma_wait3A_862 = tpu.memref_slice %arg5[%dma_wait3A_860, %dma_wait3A_861] : memref<30x128xf32, #tpu.memory_space<vmem_shared>> -> memref<30x128xf32, #tpu.memory_space<vmem_shared>>
      tpu.wait_indirect_dma semaphore(%arg10 : memref<!tpu.dma_semaphore, #tpu.memory_space<semaphore_mem>>) src(%dma_wait3A_862 : memref<30x128xf32, #tpu.memory_space<vmem_shared>>) dst(%dma_wait3A_856 : memref<72x128xf32, #tpu.memory_space<vmem>>)
      %add3A_863 = arith.constant 1800 : i32
      %add3A_864 = arith.addi %mul3A_99, %add3A_863 : i32
      %dma_start3A_865 = arith.constant 1 : i32
      %dma_start3A_866 = arith.constant 0 : i32
      %dma_start3A_867 = arith.constant 0 : i32
      %dma_start3A_868 = tpu.memref_slice %arg7[%dma_start3A_865, %dma_start3A_866, %dma_start3A_867] : memref<4x200x128xf32, #tpu.memory_space<vmem>> -> memref<1x200x128xf32, #tpu.memory_space<vmem>>
      %dma_start3A_869 = tpu.memref_squeeze %dma_start3A_868 : memref<1x200x128xf32, #tpu.memory_space<vmem>> -> memref<200x128xf32, #tpu.memory_space<vmem>>
      %dma_start3A_870 = arith.constant 0 : i32
      %dma_start3A_871 = tpu.memref_slice %arg4[%add3A_864, %dma_start3A_870] : memref<3276800x128xf32, #tpu.memory_space<hbm>> -> memref<200x128xf32, #tpu.memory_space<hbm>>
      %dma_start3A_872 = arith.constant 0 : i32
      %dma_start3A_873 = tpu.memref_slice %arg4[%add3A_864, %dma_start3A_872] : memref<3276800x128xf32, #tpu.memory_space<hbm>> -> memref<200x128xf32, #tpu.memory_space<hbm>>
      %dma_start3A_874 = arith.constant 0 : i32
      %dma_start3A_875 = arith.constant 0 : i32
      %dma_start3A_876 = tpu.memref_slice %arg7[%dma_start3A_865, %dma_start3A_874, %dma_start3A_875] : memref<4x200x128xf32, #tpu.memory_space<vmem>> -> memref<1x200x128xf32, #tpu.memory_space<vmem>>
      %dma_start3A_877 = tpu.memref_squeeze %dma_start3A_876 : memref<1x200x128xf32, #tpu.memory_space<vmem>> -> memref<200x128xf32, #tpu.memory_space<vmem>>
      tpu.enqueue_dma source(%dma_start3A_877 : memref<200x128xf32, #tpu.memory_space<vmem>>) target(%dma_start3A_873 : memref<200x128xf32, #tpu.memory_space<hbm>>) target_semaphore(%arg14 : memref<!tpu.dma_semaphore, #tpu.memory_space<semaphore_mem>>)
      %mul3A_878 = arith.constant 200 : i32
      %mul3A_879 = arith.muli %mul3A_2, %mul3A_878 : i32
      %dma_wait3A_880 = arith.constant 3 : i32
      %dma_wait3A_881 = arith.constant 0 : i32
      %dma_wait3A_882 = arith.constant 0 : i32
      %dma_wait3A_883 = tpu.memref_slice %arg7[%dma_wait3A_880, %dma_wait3A_881, %dma_wait3A_882] : memref<4x200x128xf32, #tpu.memory_space<vmem>> -> memref<1x200x128xf32, #tpu.memory_space<vmem>>
      %dma_wait3A_884 = tpu.memref_squeeze %dma_wait3A_883 : memref<1x200x128xf32, #tpu.memory_space<vmem>> -> memref<200x128xf32, #tpu.memory_space<vmem>>
      %dma_wait3A_885 = arith.constant 0 : i32
      %dma_wait3A_886 = tpu.memref_slice %arg4[%mul3A_879, %dma_wait3A_885] : memref<3276800x128xf32, #tpu.memory_space<hbm>> -> memref<200x128xf32, #tpu.memory_space<hbm>>
      %dma_wait3A_887 = arith.constant 0 : i32
      %dma_wait3A_888 = tpu.memref_slice %arg4[%mul3A_879, %dma_wait3A_887] : memref<3276800x128xf32, #tpu.memory_space<hbm>> -> memref<200x128xf32, #tpu.memory_space<hbm>>
      %dma_wait3A_889 = arith.constant 0 : i32
      %dma_wait3A_890 = arith.constant 0 : i32
      %dma_wait3A_891 = tpu.memref_slice %arg7[%dma_wait3A_880, %dma_wait3A_889, %dma_wait3A_890] : memref<4x200x128xf32, #tpu.memory_space<vmem>> -> memref<1x200x128xf32, #tpu.memory_space<vmem>>
      %dma_wait3A_892 = tpu.memref_squeeze %dma_wait3A_891 : memref<1x200x128xf32, #tpu.memory_space<vmem>> -> memref<200x128xf32, #tpu.memory_space<vmem>>
      tpu.wait_dma2 semaphore(%arg16 : memref<!tpu.dma_semaphore, #tpu.memory_space<semaphore_mem>>) src(%dma_wait3A_892 : memref<200x128xf32, #tpu.memory_space<vmem>>) dst(%dma_wait3A_888 : memref<200x128xf32, #tpu.memory_space<hbm>>)
      %dma_start3A_893 = arith.constant 11 : i32
      %dma_start3A_894 = arith.constant 3 : i32
      %dma_start3A_895 = arith.constant 0 : i32
      %dma_start3A_896 = arith.constant 0 : i32
      %dma_start3A_897 = tpu.memref_slice %arg7[%dma_start3A_894, %dma_start3A_895, %dma_start3A_896] : memref<4x200x128xf32, #tpu.memory_space<vmem>> -> memref<1x128x128xf32, #tpu.memory_space<vmem>>
      %dma_start3A_898 = tpu.memref_squeeze %dma_start3A_897 : memref<1x128x128xf32, #tpu.memory_space<vmem>> -> memref<128x128xf32, #tpu.memory_space<vmem>>
      %dma_start3A_899 = arith.constant 0 : i32
      %dma_start3A_900 = tpu.memref_slice %arg6[%rem3A_82, %dma_start3A_893, %dma_start3A_899] : memref<2x16x200xi32, #tpu.memory_space<vmem>> -> memref<1x1x128xi32, #tpu.memory_space<vmem>>
      %dma_start3A_901 = tpu.memref_squeeze %dma_start3A_900 : memref<1x1x128xi32, #tpu.memory_space<vmem>> -> memref<128xi32, #tpu.memory_space<vmem>>
      %dma_start3A_902 = arith.constant 0 : i32
      %dma_start3A_903 = arith.constant 0 : i32
      %dma_start3A_904 = tpu.memref_slice %arg5[%dma_start3A_902, %dma_start3A_903] : memref<30x128xf32, #tpu.memory_space<vmem_shared>> -> memref<30x128xf32, #tpu.memory_space<vmem_shared>>
      tpu.enqueue_indirect_dma source(%dma_start3A_904 : memref<30x128xf32, #tpu.memory_space<vmem_shared>>) target(%dma_start3A_898 : memref<128x128xf32, #tpu.memory_space<vmem>>) offsets(%dma_start3A_901 : memref<128xi32, #tpu.memory_space<vmem>>) semaphore(%arg12 : memref<!tpu.dma_semaphore, #tpu.memory_space<semaphore_mem>>)
      %dma_start3A_905 = arith.constant 11 : i32
      %dma_start3A_906 = arith.constant 3 : i32
      %dma_start3A_907 = arith.constant 128 : i32
      %dma_start3A_908 = arith.constant 0 : i32
      %dma_start3A_909 = tpu.memref_slice %arg7[%dma_start3A_906, %dma_start3A_907, %dma_start3A_908] : memref<4x200x128xf32, #tpu.memory_space<vmem>> -> memref<1x72x128xf32, #tpu.memory_space<vmem>>
      %dma_start3A_910 = tpu.memref_squeeze %dma_start3A_909 : memref<1x72x128xf32, #tpu.memory_space<vmem>> -> memref<72x128xf32, #tpu.memory_space<vmem>>
      %dma_start3A_911 = arith.constant 128 : i32
      %dma_start3A_912 = tpu.memref_slice %arg6[%rem3A_82, %dma_start3A_905, %dma_start3A_911] : memref<2x16x200xi32, #tpu.memory_space<vmem>> -> memref<1x1x72xi32, #tpu.memory_space<vmem>>
      %dma_start3A_913 = tpu.memref_squeeze %dma_start3A_912 : memref<1x1x72xi32, #tpu.memory_space<vmem>> -> memref<72xi32, #tpu.memory_space<vmem>>
      %dma_start3A_914 = arith.constant 0 : i32
      %dma_start3A_915 = arith.constant 0 : i32
      %dma_start3A_916 = tpu.memref_slice %arg5[%dma_start3A_914, %dma_start3A_915] : memref<30x128xf32, #tpu.memory_space<vmem_shared>> -> memref<30x128xf32, #tpu.memory_space<vmem_shared>>
      tpu.enqueue_indirect_dma source(%dma_start3A_916 : memref<30x128xf32, #tpu.memory_space<vmem_shared>>) target(%dma_start3A_910 : memref<72x128xf32, #tpu.memory_space<vmem>>) offsets(%dma_start3A_913 : memref<72xi32, #tpu.memory_space<vmem>>) semaphore(%arg12 : memref<!tpu.dma_semaphore, #tpu.memory_space<semaphore_mem>>)
      %dma_wait3A_917 = arith.constant 10 : i32
      %dma_wait3A_918 = arith.constant 2 : i32
      %dma_wait3A_919 = arith.constant 0 : i32
      %dma_wait3A_920 = arith.constant 0 : i32
      %dma_wait3A_921 = tpu.memref_slice %arg7[%dma_wait3A_918, %dma_wait3A_919, %dma_wait3A_920] : memref<4x200x128xf32, #tpu.memory_space<vmem>> -> memref<1x128x128xf32, #tpu.memory_space<vmem>>
      %dma_wait3A_922 = tpu.memref_squeeze %dma_wait3A_921 : memref<1x128x128xf32, #tpu.memory_space<vmem>> -> memref<128x128xf32, #tpu.memory_space<vmem>>
      %dma_wait3A_923 = arith.constant 0 : i32
      %dma_wait3A_924 = tpu.memref_slice %arg6[%rem3A_82, %dma_wait3A_917, %dma_wait3A_923] : memref<2x16x200xi32, #tpu.memory_space<vmem>> -> memref<1x1x128xi32, #tpu.memory_space<vmem>>
      %dma_wait3A_925 = tpu.memref_squeeze %dma_wait3A_924 : memref<1x1x128xi32, #tpu.memory_space<vmem>> -> memref<128xi32, #tpu.memory_space<vmem>>
      %dma_wait3A_926 = arith.constant 0 : i32
      %dma_wait3A_927 = arith.constant 0 : i32
      %dma_wait3A_928 = tpu.memref_slice %arg5[%dma_wait3A_926, %dma_wait3A_927] : memref<30x128xf32, #tpu.memory_space<vmem_shared>> -> memref<30x128xf32, #tpu.memory_space<vmem_shared>>
      tpu.wait_indirect_dma semaphore(%arg11 : memref<!tpu.dma_semaphore, #tpu.memory_space<semaphore_mem>>) src(%dma_wait3A_928 : memref<30x128xf32, #tpu.memory_space<vmem_shared>>) dst(%dma_wait3A_922 : memref<128x128xf32, #tpu.memory_space<vmem>>)
      %dma_wait3A_929 = arith.constant 10 : i32
      %dma_wait3A_930 = arith.constant 2 : i32
      %dma_wait3A_931 = arith.constant 128 : i32
      %dma_wait3A_932 = arith.constant 0 : i32
      %dma_wait3A_933 = tpu.memref_slice %arg7[%dma_wait3A_930, %dma_wait3A_931, %dma_wait3A_932] : memref<4x200x128xf32, #tpu.memory_space<vmem>> -> memref<1x72x128xf32, #tpu.memory_space<vmem>>
      %dma_wait3A_934 = tpu.memref_squeeze %dma_wait3A_933 : memref<1x72x128xf32, #tpu.memory_space<vmem>> -> memref<72x128xf32, #tpu.memory_space<vmem>>
      %dma_wait3A_935 = arith.constant 128 : i32
      %dma_wait3A_936 = tpu.memref_slice %arg6[%rem3A_82, %dma_wait3A_929, %dma_wait3A_935] : memref<2x16x200xi32, #tpu.memory_space<vmem>> -> memref<1x1x72xi32, #tpu.memory_space<vmem>>
      %dma_wait3A_937 = tpu.memref_squeeze %dma_wait3A_936 : memref<1x1x72xi32, #tpu.memory_space<vmem>> -> memref<72xi32, #tpu.memory_space<vmem>>
      %dma_wait3A_938 = arith.constant 0 : i32
      %dma_wait3A_939 = arith.constant 0 : i32
      %dma_wait3A_940 = tpu.memref_slice %arg5[%dma_wait3A_938, %dma_wait3A_939] : memref<30x128xf32, #tpu.memory_space<vmem_shared>> -> memref<30x128xf32, #tpu.memory_space<vmem_shared>>
      tpu.wait_indirect_dma semaphore(%arg11 : memref<!tpu.dma_semaphore, #tpu.memory_space<semaphore_mem>>) src(%dma_wait3A_940 : memref<30x128xf32, #tpu.memory_space<vmem_shared>>) dst(%dma_wait3A_934 : memref<72x128xf32, #tpu.memory_space<vmem>>)
      %add3A_941 = arith.constant 2000 : i32
      %add3A_942 = arith.addi %mul3A_99, %add3A_941 : i32
      %dma_start3A_943 = arith.constant 2 : i32
      %dma_start3A_944 = arith.constant 0 : i32
      %dma_start3A_945 = arith.constant 0 : i32
      %dma_start3A_946 = tpu.memref_slice %arg7[%dma_start3A_943, %dma_start3A_944, %dma_start3A_945] : memref<4x200x128xf32, #tpu.memory_space<vmem>> -> memref<1x200x128xf32, #tpu.memory_space<vmem>>
      %dma_start3A_947 = tpu.memref_squeeze %dma_start3A_946 : memref<1x200x128xf32, #tpu.memory_space<vmem>> -> memref<200x128xf32, #tpu.memory_space<vmem>>
      %dma_start3A_948 = arith.constant 0 : i32
      %dma_start3A_949 = tpu.memref_slice %arg4[%add3A_942, %dma_start3A_948] : memref<3276800x128xf32, #tpu.memory_space<hbm>> -> memref<200x128xf32, #tpu.memory_space<hbm>>
      %dma_start3A_950 = arith.constant 0 : i32
      %dma_start3A_951 = tpu.memref_slice %arg4[%add3A_942, %dma_start3A_950] : memref<3276800x128xf32, #tpu.memory_space<hbm>> -> memref<200x128xf32, #tpu.memory_space<hbm>>
      %dma_start3A_952 = arith.constant 0 : i32
      %dma_start3A_953 = arith.constant 0 : i32
      %dma_start3A_954 = tpu.memref_slice %arg7[%dma_start3A_943, %dma_start3A_952, %dma_start3A_953] : memref<4x200x128xf32, #tpu.memory_space<vmem>> -> memref<1x200x128xf32, #tpu.memory_space<vmem>>
      %dma_start3A_955 = tpu.memref_squeeze %dma_start3A_954 : memref<1x200x128xf32, #tpu.memory_space<vmem>> -> memref<200x128xf32, #tpu.memory_space<vmem>>
      tpu.enqueue_dma source(%dma_start3A_955 : memref<200x128xf32, #tpu.memory_space<vmem>>) target(%dma_start3A_951 : memref<200x128xf32, #tpu.memory_space<hbm>>) target_semaphore(%arg15 : memref<!tpu.dma_semaphore, #tpu.memory_space<semaphore_mem>>)
      %mul3A_956 = arith.constant 200 : i32
      %mul3A_957 = arith.muli %mul3A_2, %mul3A_956 : i32
      %dma_wait3A_958 = arith.constant 0 : i32
      %dma_wait3A_959 = arith.constant 0 : i32
      %dma_wait3A_960 = arith.constant 0 : i32
      %dma_wait3A_961 = tpu.memref_slice %arg7[%dma_wait3A_958, %dma_wait3A_959, %dma_wait3A_960] : memref<4x200x128xf32, #tpu.memory_space<vmem>> -> memref<1x200x128xf32, #tpu.memory_space<vmem>>
      %dma_wait3A_962 = tpu.memref_squeeze %dma_wait3A_961 : memref<1x200x128xf32, #tpu.memory_space<vmem>> -> memref<200x128xf32, #tpu.memory_space<vmem>>
      %dma_wait3A_963 = arith.constant 0 : i32
      %dma_wait3A_964 = tpu.memref_slice %arg4[%mul3A_957, %dma_wait3A_963] : memref<3276800x128xf32, #tpu.memory_space<hbm>> -> memref<200x128xf32, #tpu.memory_space<hbm>>
      %dma_wait3A_965 = arith.constant 0 : i32
      %dma_wait3A_966 = tpu.memref_slice %arg4[%mul3A_957, %dma_wait3A_965] : memref<3276800x128xf32, #tpu.memory_space<hbm>> -> memref<200x128xf32, #tpu.memory_space<hbm>>
      %dma_wait3A_967 = arith.constant 0 : i32
      %dma_wait3A_968 = arith.constant 0 : i32
      %dma_wait3A_969 = tpu.memref_slice %arg7[%dma_wait3A_958, %dma_wait3A_967, %dma_wait3A_968] : memref<4x200x128xf32, #tpu.memory_space<vmem>> -> memref<1x200x128xf32, #tpu.memory_space<vmem>>
      %dma_wait3A_970 = tpu.memref_squeeze %dma_wait3A_969 : memref<1x200x128xf32, #tpu.memory_space<vmem>> -> memref<200x128xf32, #tpu.memory_space<vmem>>
      tpu.wait_dma2 semaphore(%arg13 : memref<!tpu.dma_semaphore, #tpu.memory_space<semaphore_mem>>) src(%dma_wait3A_970 : memref<200x128xf32, #tpu.memory_space<vmem>>) dst(%dma_wait3A_966 : memref<200x128xf32, #tpu.memory_space<hbm>>)
      %dma_start3A_971 = arith.constant 12 : i32
      %dma_start3A_972 = arith.constant 0 : i32
      %dma_start3A_973 = arith.constant 0 : i32
      %dma_start3A_974 = arith.constant 0 : i32
      %dma_start3A_975 = tpu.memref_slice %arg7[%dma_start3A_972, %dma_start3A_973, %dma_start3A_974] : memref<4x200x128xf32, #tpu.memory_space<vmem>> -> memref<1x128x128xf32, #tpu.memory_space<vmem>>
      %dma_start3A_976 = tpu.memref_squeeze %dma_start3A_975 : memref<1x128x128xf32, #tpu.memory_space<vmem>> -> memref<128x128xf32, #tpu.memory_space<vmem>>
      %dma_start3A_977 = arith.constant 0 : i32
      %dma_start3A_978 = tpu.memref_slice %arg6[%rem3A_82, %dma_start3A_971, %dma_start3A_977] : memref<2x16x200xi32, #tpu.memory_space<vmem>> -> memref<1x1x128xi32, #tpu.memory_space<vmem>>
      %dma_start3A_979 = tpu.memref_squeeze %dma_start3A_978 : memref<1x1x128xi32, #tpu.memory_space<vmem>> -> memref<128xi32, #tpu.memory_space<vmem>>
      %dma_start3A_980 = arith.constant 0 : i32
      %dma_start3A_981 = arith.constant 0 : i32
      %dma_start3A_982 = tpu.memref_slice %arg5[%dma_start3A_980, %dma_start3A_981] : memref<30x128xf32, #tpu.memory_space<vmem_shared>> -> memref<30x128xf32, #tpu.memory_space<vmem_shared>>
      tpu.enqueue_indirect_dma source(%dma_start3A_982 : memref<30x128xf32, #tpu.memory_space<vmem_shared>>) target(%dma_start3A_976 : memref<128x128xf32, #tpu.memory_space<vmem>>) offsets(%dma_start3A_979 : memref<128xi32, #tpu.memory_space<vmem>>) semaphore(%arg9 : memref<!tpu.dma_semaphore, #tpu.memory_space<semaphore_mem>>)
      %dma_start3A_983 = arith.constant 12 : i32
      %dma_start3A_984 = arith.constant 0 : i32
      %dma_start3A_985 = arith.constant 128 : i32
      %dma_start3A_986 = arith.constant 0 : i32
      %dma_start3A_987 = tpu.memref_slice %arg7[%dma_start3A_984, %dma_start3A_985, %dma_start3A_986] : memref<4x200x128xf32, #tpu.memory_space<vmem>> -> memref<1x72x128xf32, #tpu.memory_space<vmem>>
      %dma_start3A_988 = tpu.memref_squeeze %dma_start3A_987 : memref<1x72x128xf32, #tpu.memory_space<vmem>> -> memref<72x128xf32, #tpu.memory_space<vmem>>
      %dma_start3A_989 = arith.constant 128 : i32
      %dma_start3A_990 = tpu.memref_slice %arg6[%rem3A_82, %dma_start3A_983, %dma_start3A_989] : memref<2x16x200xi32, #tpu.memory_space<vmem>> -> memref<1x1x72xi32, #tpu.memory_space<vmem>>
      %dma_start3A_991 = tpu.memref_squeeze %dma_start3A_990 : memref<1x1x72xi32, #tpu.memory_space<vmem>> -> memref<72xi32, #tpu.memory_space<vmem>>
      %dma_start3A_992 = arith.constant 0 : i32
      %dma_start3A_993 = arith.constant 0 : i32
      %dma_start3A_994 = tpu.memref_slice %arg5[%dma_start3A_992, %dma_start3A_993] : memref<30x128xf32, #tpu.memory_space<vmem_shared>> -> memref<30x128xf32, #tpu.memory_space<vmem_shared>>
      tpu.enqueue_indirect_dma source(%dma_start3A_994 : memref<30x128xf32, #tpu.memory_space<vmem_shared>>) target(%dma_start3A_988 : memref<72x128xf32, #tpu.memory_space<vmem>>) offsets(%dma_start3A_991 : memref<72xi32, #tpu.memory_space<vmem>>) semaphore(%arg9 : memref<!tpu.dma_semaphore, #tpu.memory_space<semaphore_mem>>)
      %dma_wait3A_995 = arith.constant 11 : i32
      %dma_wait3A_996 = arith.constant 3 : i32
      %dma_wait3A_997 = arith.constant 0 : i32
      %dma_wait3A_998 = arith.constant 0 : i32
      %dma_wait3A_999 = tpu.memref_slice %arg7[%dma_wait3A_996, %dma_wait3A_997, %dma_wait3A_998] : memref<4x200x128xf32, #tpu.memory_space<vmem>> -> memref<1x128x128xf32, #tpu.memory_space<vmem>>
      %dma_wait3A_1000 = tpu.memref_squeeze %dma_wait3A_999 : memref<1x128x128xf32, #tpu.memory_space<vmem>> -> memref<128x128xf32, #tpu.memory_space<vmem>>
      %dma_wait3A_1001 = arith.constant 0 : i32
      %dma_wait3A_1002 = tpu.memref_slice %arg6[%rem3A_82, %dma_wait3A_995, %dma_wait3A_1001] : memref<2x16x200xi32, #tpu.memory_space<vmem>> -> memref<1x1x128xi32, #tpu.memory_space<vmem>>
      %dma_wait3A_1003 = tpu.memref_squeeze %dma_wait3A_1002 : memref<1x1x128xi32, #tpu.memory_space<vmem>> -> memref<128xi32, #tpu.memory_space<vmem>>
      %dma_wait3A_1004 = arith.constant 0 : i32
      %dma_wait3A_1005 = arith.constant 0 : i32
      %dma_wait3A_1006 = tpu.memref_slice %arg5[%dma_wait3A_1004, %dma_wait3A_1005] : memref<30x128xf32, #tpu.memory_space<vmem_shared>> -> memref<30x128xf32, #tpu.memory_space<vmem_shared>>
      tpu.wait_indirect_dma semaphore(%arg12 : memref<!tpu.dma_semaphore, #tpu.memory_space<semaphore_mem>>) src(%dma_wait3A_1006 : memref<30x128xf32, #tpu.memory_space<vmem_shared>>) dst(%dma_wait3A_1000 : memref<128x128xf32, #tpu.memory_space<vmem>>)
      %dma_wait3A_1007 = arith.constant 11 : i32
      %dma_wait3A_1008 = arith.constant 3 : i32
      %dma_wait3A_1009 = arith.constant 128 : i32
      %dma_wait3A_1010 = arith.constant 0 : i32
      %dma_wait3A_1011 = tpu.memref_slice %arg7[%dma_wait3A_1008, %dma_wait3A_1009, %dma_wait3A_1010] : memref<4x200x128xf32, #tpu.memory_space<vmem>> -> memref<1x72x128xf32, #tpu.memory_space<vmem>>
      %dma_wait3A_1012 = tpu.memref_squeeze %dma_wait3A_1011 : memref<1x72x128xf32, #tpu.memory_space<vmem>> -> memref<72x128xf32, #tpu.memory_space<vmem>>
      %dma_wait3A_1013 = arith.constant 128 : i32
      %dma_wait3A_1014 = tpu.memref_slice %arg6[%rem3A_82, %dma_wait3A_1007, %dma_wait3A_1013] : memref<2x16x200xi32, #tpu.memory_space<vmem>> -> memref<1x1x72xi32, #tpu.memory_space<vmem>>
      %dma_wait3A_1015 = tpu.memref_squeeze %dma_wait3A_1014 : memref<1x1x72xi32, #tpu.memory_space<vmem>> -> memref<72xi32, #tpu.memory_space<vmem>>
      %dma_wait3A_1016 = arith.constant 0 : i32
      %dma_wait3A_1017 = arith.constant 0 : i32
      %dma_wait3A_1018 = tpu.memref_slice %arg5[%dma_wait3A_1016, %dma_wait3A_1017] : memref<30x128xf32, #tpu.memory_space<vmem_shared>> -> memref<30x128xf32, #tpu.memory_space<vmem_shared>>
      tpu.wait_indirect_dma semaphore(%arg12 : memref<!tpu.dma_semaphore, #tpu.memory_space<semaphore_mem>>) src(%dma_wait3A_1018 : memref<30x128xf32, #tpu.memory_space<vmem_shared>>) dst(%dma_wait3A_1012 : memref<72x128xf32, #tpu.memory_space<vmem>>)
      %add3A_1019 = arith.constant 2200 : i32
      %add3A_1020 = arith.addi %mul3A_99, %add3A_1019 : i32
      %dma_start3A_1021 = arith.constant 3 : i32
      %dma_start3A_1022 = arith.constant 0 : i32
      %dma_start3A_1023 = arith.constant 0 : i32
      %dma_start3A_1024 = tpu.memref_slice %arg7[%dma_start3A_1021, %dma_start3A_1022, %dma_start3A_1023] : memref<4x200x128xf32, #tpu.memory_space<vmem>> -> memref<1x200x128xf32, #tpu.memory_space<vmem>>
      %dma_start3A_1025 = tpu.memref_squeeze %dma_start3A_1024 : memref<1x200x128xf32, #tpu.memory_space<vmem>> -> memref<200x128xf32, #tpu.memory_space<vmem>>
      %dma_start3A_1026 = arith.constant 0 : i32
      %dma_start3A_1027 = tpu.memref_slice %arg4[%add3A_1020, %dma_start3A_1026] : memref<3276800x128xf32, #tpu.memory_space<hbm>> -> memref<200x128xf32, #tpu.memory_space<hbm>>
      %dma_start3A_1028 = arith.constant 0 : i32
      %dma_start3A_1029 = tpu.memref_slice %arg4[%add3A_1020, %dma_start3A_1028] : memref<3276800x128xf32, #tpu.memory_space<hbm>> -> memref<200x128xf32, #tpu.memory_space<hbm>>
      %dma_start3A_1030 = arith.constant 0 : i32
      %dma_start3A_1031 = arith.constant 0 : i32
      %dma_start3A_1032 = tpu.memref_slice %arg7[%dma_start3A_1021, %dma_start3A_1030, %dma_start3A_1031] : memref<4x200x128xf32, #tpu.memory_space<vmem>> -> memref<1x200x128xf32, #tpu.memory_space<vmem>>
      %dma_start3A_1033 = tpu.memref_squeeze %dma_start3A_1032 : memref<1x200x128xf32, #tpu.memory_space<vmem>> -> memref<200x128xf32, #tpu.memory_space<vmem>>
      tpu.enqueue_dma source(%dma_start3A_1033 : memref<200x128xf32, #tpu.memory_space<vmem>>) target(%dma_start3A_1029 : memref<200x128xf32, #tpu.memory_space<hbm>>) target_semaphore(%arg16 : memref<!tpu.dma_semaphore, #tpu.memory_space<semaphore_mem>>)
      %mul3A_1034 = arith.constant 200 : i32
      %mul3A_1035 = arith.muli %mul3A_2, %mul3A_1034 : i32
      %dma_wait3A_1036 = arith.constant 1 : i32
      %dma_wait3A_1037 = arith.constant 0 : i32
      %dma_wait3A_1038 = arith.constant 0 : i32
      %dma_wait3A_1039 = tpu.memref_slice %arg7[%dma_wait3A_1036, %dma_wait3A_1037, %dma_wait3A_1038] : memref<4x200x128xf32, #tpu.memory_space<vmem>> -> memref<1x200x128xf32, #tpu.memory_space<vmem>>
      %dma_wait3A_1040 = tpu.memref_squeeze %dma_wait3A_1039 : memref<1x200x128xf32, #tpu.memory_space<vmem>> -> memref<200x128xf32, #tpu.memory_space<vmem>>
      %dma_wait3A_1041 = arith.constant 0 : i32
      %dma_wait3A_1042 = tpu.memref_slice %arg4[%mul3A_1035, %dma_wait3A_1041] : memref<3276800x128xf32, #tpu.memory_space<hbm>> -> memref<200x128xf32, #tpu.memory_space<hbm>>
      %dma_wait3A_1043 = arith.constant 0 : i32
      %dma_wait3A_1044 = tpu.memref_slice %arg4[%mul3A_1035, %dma_wait3A_1043] : memref<3276800x128xf32, #tpu.memory_space<hbm>> -> memref<200x128xf32, #tpu.memory_space<hbm>>
      %dma_wait3A_1045 = arith.constant 0 : i32
      %dma_wait3A_1046 = arith.constant 0 : i32
      %dma_wait3A_1047 = tpu.memref_slice %arg7[%dma_wait3A_1036, %dma_wait3A_1045, %dma_wait3A_1046] : memref<4x200x128xf32, #tpu.memory_space<vmem>> -> memref<1x200x128xf32, #tpu.memory_space<vmem>>
      %dma_wait3A_1048 = tpu.memref_squeeze %dma_wait3A_1047 : memref<1x200x128xf32, #tpu.memory_space<vmem>> -> memref<200x128xf32, #tpu.memory_space<vmem>>
      tpu.wait_dma2 semaphore(%arg14 : memref<!tpu.dma_semaphore, #tpu.memory_space<semaphore_mem>>) src(%dma_wait3A_1048 : memref<200x128xf32, #tpu.memory_space<vmem>>) dst(%dma_wait3A_1044 : memref<200x128xf32, #tpu.memory_space<hbm>>)
      %dma_start3A_1049 = arith.constant 13 : i32
      %dma_start3A_1050 = arith.constant 1 : i32
      %dma_start3A_1051 = arith.constant 0 : i32
      %dma_start3A_1052 = arith.constant 0 : i32
      %dma_start3A_1053 = tpu.memref_slice %arg7[%dma_start3A_1050, %dma_start3A_1051, %dma_start3A_1052] : memref<4x200x128xf32, #tpu.memory_space<vmem>> -> memref<1x128x128xf32, #tpu.memory_space<vmem>>
      %dma_start3A_1054 = tpu.memref_squeeze %dma_start3A_1053 : memref<1x128x128xf32, #tpu.memory_space<vmem>> -> memref<128x128xf32, #tpu.memory_space<vmem>>
      %dma_start3A_1055 = arith.constant 0 : i32
      %dma_start3A_1056 = tpu.memref_slice %arg6[%rem3A_82, %dma_start3A_1049, %dma_start3A_1055] : memref<2x16x200xi32, #tpu.memory_space<vmem>> -> memref<1x1x128xi32, #tpu.memory_space<vmem>>
      %dma_start3A_1057 = tpu.memref_squeeze %dma_start3A_1056 : memref<1x1x128xi32, #tpu.memory_space<vmem>> -> memref<128xi32, #tpu.memory_space<vmem>>
      %dma_start3A_1058 = arith.constant 0 : i32
      %dma_start3A_1059 = arith.constant 0 : i32
      %dma_start3A_1060 = tpu.memref_slice %arg5[%dma_start3A_1058, %dma_start3A_1059] : memref<30x128xf32, #tpu.memory_space<vmem_shared>> -> memref<30x128xf32, #tpu.memory_space<vmem_shared>>
      tpu.enqueue_indirect_dma source(%dma_start3A_1060 : memref<30x128xf32, #tpu.memory_space<vmem_shared>>) target(%dma_start3A_1054 : memref<128x128xf32, #tpu.memory_space<vmem>>) offsets(%dma_start3A_1057 : memref<128xi32, #tpu.memory_space<vmem>>) semaphore(%arg10 : memref<!tpu.dma_semaphore, #tpu.memory_space<semaphore_mem>>)
      %dma_start3A_1061 = arith.constant 13 : i32
      %dma_start3A_1062 = arith.constant 1 : i32
      %dma_start3A_1063 = arith.constant 128 : i32
      %dma_start3A_1064 = arith.constant 0 : i32
      %dma_start3A_1065 = tpu.memref_slice %arg7[%dma_start3A_1062, %dma_start3A_1063, %dma_start3A_1064] : memref<4x200x128xf32, #tpu.memory_space<vmem>> -> memref<1x72x128xf32, #tpu.memory_space<vmem>>
      %dma_start3A_1066 = tpu.memref_squeeze %dma_start3A_1065 : memref<1x72x128xf32, #tpu.memory_space<vmem>> -> memref<72x128xf32, #tpu.memory_space<vmem>>
      %dma_start3A_1067 = arith.constant 128 : i32
      %dma_start3A_1068 = tpu.memref_slice %arg6[%rem3A_82, %dma_start3A_1061, %dma_start3A_1067] : memref<2x16x200xi32, #tpu.memory_space<vmem>> -> memref<1x1x72xi32, #tpu.memory_space<vmem>>
      %dma_start3A_1069 = tpu.memref_squeeze %dma_start3A_1068 : memref<1x1x72xi32, #tpu.memory_space<vmem>> -> memref<72xi32, #tpu.memory_space<vmem>>
      %dma_start3A_1070 = arith.constant 0 : i32
      %dma_start3A_1071 = arith.constant 0 : i32
      %dma_start3A_1072 = tpu.memref_slice %arg5[%dma_start3A_1070, %dma_start3A_1071] : memref<30x128xf32, #tpu.memory_space<vmem_shared>> -> memref<30x128xf32, #tpu.memory_space<vmem_shared>>
      tpu.enqueue_indirect_dma source(%dma_start3A_1072 : memref<30x128xf32, #tpu.memory_space<vmem_shared>>) target(%dma_start3A_1066 : memref<72x128xf32, #tpu.memory_space<vmem>>) offsets(%dma_start3A_1069 : memref<72xi32, #tpu.memory_space<vmem>>) semaphore(%arg10 : memref<!tpu.dma_semaphore, #tpu.memory_space<semaphore_mem>>)
      %dma_wait3A_1073 = arith.constant 12 : i32
      %dma_wait3A_1074 = arith.constant 0 : i32
      %dma_wait3A_1075 = arith.constant 0 : i32
      %dma_wait3A_1076 = arith.constant 0 : i32
      %dma_wait3A_1077 = tpu.memref_slice %arg7[%dma_wait3A_1074, %dma_wait3A_1075, %dma_wait3A_1076] : memref<4x200x128xf32, #tpu.memory_space<vmem>> -> memref<1x128x128xf32, #tpu.memory_space<vmem>>
      %dma_wait3A_1078 = tpu.memref_squeeze %dma_wait3A_1077 : memref<1x128x128xf32, #tpu.memory_space<vmem>> -> memref<128x128xf32, #tpu.memory_space<vmem>>
      %dma_wait3A_1079 = arith.constant 0 : i32
      %dma_wait3A_1080 = tpu.memref_slice %arg6[%rem3A_82, %dma_wait3A_1073, %dma_wait3A_1079] : memref<2x16x200xi32, #tpu.memory_space<vmem>> -> memref<1x1x128xi32, #tpu.memory_space<vmem>>
      %dma_wait3A_1081 = tpu.memref_squeeze %dma_wait3A_1080 : memref<1x1x128xi32, #tpu.memory_space<vmem>> -> memref<128xi32, #tpu.memory_space<vmem>>
      %dma_wait3A_1082 = arith.constant 0 : i32
      %dma_wait3A_1083 = arith.constant 0 : i32
      %dma_wait3A_1084 = tpu.memref_slice %arg5[%dma_wait3A_1082, %dma_wait3A_1083] : memref<30x128xf32, #tpu.memory_space<vmem_shared>> -> memref<30x128xf32, #tpu.memory_space<vmem_shared>>
      tpu.wait_indirect_dma semaphore(%arg9 : memref<!tpu.dma_semaphore, #tpu.memory_space<semaphore_mem>>) src(%dma_wait3A_1084 : memref<30x128xf32, #tpu.memory_space<vmem_shared>>) dst(%dma_wait3A_1078 : memref<128x128xf32, #tpu.memory_space<vmem>>)
      %dma_wait3A_1085 = arith.constant 12 : i32
      %dma_wait3A_1086 = arith.constant 0 : i32
      %dma_wait3A_1087 = arith.constant 128 : i32
      %dma_wait3A_1088 = arith.constant 0 : i32
      %dma_wait3A_1089 = tpu.memref_slice %arg7[%dma_wait3A_1086, %dma_wait3A_1087, %dma_wait3A_1088] : memref<4x200x128xf32, #tpu.memory_space<vmem>> -> memref<1x72x128xf32, #tpu.memory_space<vmem>>
      %dma_wait3A_1090 = tpu.memref_squeeze %dma_wait3A_1089 : memref<1x72x128xf32, #tpu.memory_space<vmem>> -> memref<72x128xf32, #tpu.memory_space<vmem>>
      %dma_wait3A_1091 = arith.constant 128 : i32
      %dma_wait3A_1092 = tpu.memref_slice %arg6[%rem3A_82, %dma_wait3A_1085, %dma_wait3A_1091] : memref<2x16x200xi32, #tpu.memory_space<vmem>> -> memref<1x1x72xi32, #tpu.memory_space<vmem>>
      %dma_wait3A_1093 = tpu.memref_squeeze %dma_wait3A_1092 : memref<1x1x72xi32, #tpu.memory_space<vmem>> -> memref<72xi32, #tpu.memory_space<vmem>>
      %dma_wait3A_1094 = arith.constant 0 : i32
      %dma_wait3A_1095 = arith.constant 0 : i32
      %dma_wait3A_1096 = tpu.memref_slice %arg5[%dma_wait3A_1094, %dma_wait3A_1095] : memref<30x128xf32, #tpu.memory_space<vmem_shared>> -> memref<30x128xf32, #tpu.memory_space<vmem_shared>>
      tpu.wait_indirect_dma semaphore(%arg9 : memref<!tpu.dma_semaphore, #tpu.memory_space<semaphore_mem>>) src(%dma_wait3A_1096 : memref<30x128xf32, #tpu.memory_space<vmem_shared>>) dst(%dma_wait3A_1090 : memref<72x128xf32, #tpu.memory_space<vmem>>)
      %add3A_1097 = arith.constant 2400 : i32
      %add3A_1098 = arith.addi %mul3A_99, %add3A_1097 : i32
      %dma_start3A_1099 = arith.constant 0 : i32
      %dma_start3A_1100 = arith.constant 0 : i32
      %dma_start3A_1101 = arith.constant 0 : i32
      %dma_start3A_1102 = tpu.memref_slice %arg7[%dma_start3A_1099, %dma_start3A_1100, %dma_start3A_1101] : memref<4x200x128xf32, #tpu.memory_space<vmem>> -> memref<1x200x128xf32, #tpu.memory_space<vmem>>
      %dma_start3A_1103 = tpu.memref_squeeze %dma_start3A_1102 : memref<1x200x128xf32, #tpu.memory_space<vmem>> -> memref<200x128xf32, #tpu.memory_space<vmem>>
      %dma_start3A_1104 = arith.constant 0 : i32
      %dma_start3A_1105 = tpu.memref_slice %arg4[%add3A_1098, %dma_start3A_1104] : memref<3276800x128xf32, #tpu.memory_space<hbm>> -> memref<200x128xf32, #tpu.memory_space<hbm>>
      %dma_start3A_1106 = arith.constant 0 : i32
      %dma_start3A_1107 = tpu.memref_slice %arg4[%add3A_1098, %dma_start3A_1106] : memref<3276800x128xf32, #tpu.memory_space<hbm>> -> memref<200x128xf32, #tpu.memory_space<hbm>>
      %dma_start3A_1108 = arith.constant 0 : i32
      %dma_start3A_1109 = arith.constant 0 : i32
      %dma_start3A_1110 = tpu.memref_slice %arg7[%dma_start3A_1099, %dma_start3A_1108, %dma_start3A_1109] : memref<4x200x128xf32, #tpu.memory_space<vmem>> -> memref<1x200x128xf32, #tpu.memory_space<vmem>>
      %dma_start3A_1111 = tpu.memref_squeeze %dma_start3A_1110 : memref<1x200x128xf32, #tpu.memory_space<vmem>> -> memref<200x128xf32, #tpu.memory_space<vmem>>
      tpu.enqueue_dma source(%dma_start3A_1111 : memref<200x128xf32, #tpu.memory_space<vmem>>) target(%dma_start3A_1107 : memref<200x128xf32, #tpu.memory_space<hbm>>) target_semaphore(%arg13 : memref<!tpu.dma_semaphore, #tpu.memory_space<semaphore_mem>>)
      %mul3A_1112 = arith.constant 200 : i32
      %mul3A_1113 = arith.muli %mul3A_2, %mul3A_1112 : i32
      %dma_wait3A_1114 = arith.constant 2 : i32
      %dma_wait3A_1115 = arith.constant 0 : i32
      %dma_wait3A_1116 = arith.constant 0 : i32
      %dma_wait3A_1117 = tpu.memref_slice %arg7[%dma_wait3A_1114, %dma_wait3A_1115, %dma_wait3A_1116] : memref<4x200x128xf32, #tpu.memory_space<vmem>> -> memref<1x200x128xf32, #tpu.memory_space<vmem>>
      %dma_wait3A_1118 = tpu.memref_squeeze %dma_wait3A_1117 : memref<1x200x128xf32, #tpu.memory_space<vmem>> -> memref<200x128xf32, #tpu.memory_space<vmem>>
      %dma_wait3A_1119 = arith.constant 0 : i32
      %dma_wait3A_1120 = tpu.memref_slice %arg4[%mul3A_1113, %dma_wait3A_1119] : memref<3276800x128xf32, #tpu.memory_space<hbm>> -> memref<200x128xf32, #tpu.memory_space<hbm>>
      %dma_wait3A_1121 = arith.constant 0 : i32
      %dma_wait3A_1122 = tpu.memref_slice %arg4[%mul3A_1113, %dma_wait3A_1121] : memref<3276800x128xf32, #tpu.memory_space<hbm>> -> memref<200x128xf32, #tpu.memory_space<hbm>>
      %dma_wait3A_1123 = arith.constant 0 : i32
      %dma_wait3A_1124 = arith.constant 0 : i32
      %dma_wait3A_1125 = tpu.memref_slice %arg7[%dma_wait3A_1114, %dma_wait3A_1123, %dma_wait3A_1124] : memref<4x200x128xf32, #tpu.memory_space<vmem>> -> memref<1x200x128xf32, #tpu.memory_space<vmem>>
      %dma_wait3A_1126 = tpu.memref_squeeze %dma_wait3A_1125 : memref<1x200x128xf32, #tpu.memory_space<vmem>> -> memref<200x128xf32, #tpu.memory_space<vmem>>
      tpu.wait_dma2 semaphore(%arg15 : memref<!tpu.dma_semaphore, #tpu.memory_space<semaphore_mem>>) src(%dma_wait3A_1126 : memref<200x128xf32, #tpu.memory_space<vmem>>) dst(%dma_wait3A_1122 : memref<200x128xf32, #tpu.memory_space<hbm>>)
      %dma_start3A_1127 = arith.constant 14 : i32
      %dma_start3A_1128 = arith.constant 2 : i32
      %dma_start3A_1129 = arith.constant 0 : i32
      %dma_start3A_1130 = arith.constant 0 : i32
      %dma_start3A_1131 = tpu.memref_slice %arg7[%dma_start3A_1128, %dma_start3A_1129, %dma_start3A_1130] : memref<4x200x128xf32, #tpu.memory_space<vmem>> -> memref<1x128x128xf32, #tpu.memory_space<vmem>>
      %dma_start3A_1132 = tpu.memref_squeeze %dma_start3A_1131 : memref<1x128x128xf32, #tpu.memory_space<vmem>> -> memref<128x128xf32, #tpu.memory_space<vmem>>
      %dma_start3A_1133 = arith.constant 0 : i32
      %dma_start3A_1134 = tpu.memref_slice %arg6[%rem3A_82, %dma_start3A_1127, %dma_start3A_1133] : memref<2x16x200xi32, #tpu.memory_space<vmem>> -> memref<1x1x128xi32, #tpu.memory_space<vmem>>
      %dma_start3A_1135 = tpu.memref_squeeze %dma_start3A_1134 : memref<1x1x128xi32, #tpu.memory_space<vmem>> -> memref<128xi32, #tpu.memory_space<vmem>>
      %dma_start3A_1136 = arith.constant 0 : i32
      %dma_start3A_1137 = arith.constant 0 : i32
      %dma_start3A_1138 = tpu.memref_slice %arg5[%dma_start3A_1136, %dma_start3A_1137] : memref<30x128xf32, #tpu.memory_space<vmem_shared>> -> memref<30x128xf32, #tpu.memory_space<vmem_shared>>
      tpu.enqueue_indirect_dma source(%dma_start3A_1138 : memref<30x128xf32, #tpu.memory_space<vmem_shared>>) target(%dma_start3A_1132 : memref<128x128xf32, #tpu.memory_space<vmem>>) offsets(%dma_start3A_1135 : memref<128xi32, #tpu.memory_space<vmem>>) semaphore(%arg11 : memref<!tpu.dma_semaphore, #tpu.memory_space<semaphore_mem>>)
      %dma_start3A_1139 = arith.constant 14 : i32
      %dma_start3A_1140 = arith.constant 2 : i32
      %dma_start3A_1141 = arith.constant 128 : i32
      %dma_start3A_1142 = arith.constant 0 : i32
      %dma_start3A_1143 = tpu.memref_slice %arg7[%dma_start3A_1140, %dma_start3A_1141, %dma_start3A_1142] : memref<4x200x128xf32, #tpu.memory_space<vmem>> -> memref<1x72x128xf32, #tpu.memory_space<vmem>>
      %dma_start3A_1144 = tpu.memref_squeeze %dma_start3A_1143 : memref<1x72x128xf32, #tpu.memory_space<vmem>> -> memref<72x128xf32, #tpu.memory_space<vmem>>
      %dma_start3A_1145 = arith.constant 128 : i32
      %dma_start3A_1146 = tpu.memref_slice %arg6[%rem3A_82, %dma_start3A_1139, %dma_start3A_1145] : memref<2x16x200xi32, #tpu.memory_space<vmem>> -> memref<1x1x72xi32, #tpu.memory_space<vmem>>
      %dma_start3A_1147 = tpu.memref_squeeze %dma_start3A_1146 : memref<1x1x72xi32, #tpu.memory_space<vmem>> -> memref<72xi32, #tpu.memory_space<vmem>>
      %dma_start3A_1148 = arith.constant 0 : i32
      %dma_start3A_1149 = arith.constant 0 : i32
      %dma_start3A_1150 = tpu.memref_slice %arg5[%dma_start3A_1148, %dma_start3A_1149] : memref<30x128xf32, #tpu.memory_space<vmem_shared>> -> memref<30x128xf32, #tpu.memory_space<vmem_shared>>
      tpu.enqueue_indirect_dma source(%dma_start3A_1150 : memref<30x128xf32, #tpu.memory_space<vmem_shared>>) target(%dma_start3A_1144 : memref<72x128xf32, #tpu.memory_space<vmem>>) offsets(%dma_start3A_1147 : memref<72xi32, #tpu.memory_space<vmem>>) semaphore(%arg11 : memref<!tpu.dma_semaphore, #tpu.memory_space<semaphore_mem>>)
      %dma_wait3A_1151 = arith.constant 13 : i32
      %dma_wait3A_1152 = arith.constant 1 : i32
      %dma_wait3A_1153 = arith.constant 0 : i32
      %dma_wait3A_1154 = arith.constant 0 : i32
      %dma_wait3A_1155 = tpu.memref_slice %arg7[%dma_wait3A_1152, %dma_wait3A_1153, %dma_wait3A_1154] : memref<4x200x128xf32, #tpu.memory_space<vmem>> -> memref<1x128x128xf32, #tpu.memory_space<vmem>>
      %dma_wait3A_1156 = tpu.memref_squeeze %dma_wait3A_1155 : memref<1x128x128xf32, #tpu.memory_space<vmem>> -> memref<128x128xf32, #tpu.memory_space<vmem>>
      %dma_wait3A_1157 = arith.constant 0 : i32
      %dma_wait3A_1158 = tpu.memref_slice %arg6[%rem3A_82, %dma_wait3A_1151, %dma_wait3A_1157] : memref<2x16x200xi32, #tpu.memory_space<vmem>> -> memref<1x1x128xi32, #tpu.memory_space<vmem>>
      %dma_wait3A_1159 = tpu.memref_squeeze %dma_wait3A_1158 : memref<1x1x128xi32, #tpu.memory_space<vmem>> -> memref<128xi32, #tpu.memory_space<vmem>>
      %dma_wait3A_1160 = arith.constant 0 : i32
      %dma_wait3A_1161 = arith.constant 0 : i32
      %dma_wait3A_1162 = tpu.memref_slice %arg5[%dma_wait3A_1160, %dma_wait3A_1161] : memref<30x128xf32, #tpu.memory_space<vmem_shared>> -> memref<30x128xf32, #tpu.memory_space<vmem_shared>>
      tpu.wait_indirect_dma semaphore(%arg10 : memref<!tpu.dma_semaphore, #tpu.memory_space<semaphore_mem>>) src(%dma_wait3A_1162 : memref<30x128xf32, #tpu.memory_space<vmem_shared>>) dst(%dma_wait3A_1156 : memref<128x128xf32, #tpu.memory_space<vmem>>)
      %dma_wait3A_1163 = arith.constant 13 : i32
      %dma_wait3A_1164 = arith.constant 1 : i32
      %dma_wait3A_1165 = arith.constant 128 : i32
      %dma_wait3A_1166 = arith.constant 0 : i32
      %dma_wait3A_1167 = tpu.memref_slice %arg7[%dma_wait3A_1164, %dma_wait3A_1165, %dma_wait3A_1166] : memref<4x200x128xf32, #tpu.memory_space<vmem>> -> memref<1x72x128xf32, #tpu.memory_space<vmem>>
      %dma_wait3A_1168 = tpu.memref_squeeze %dma_wait3A_1167 : memref<1x72x128xf32, #tpu.memory_space<vmem>> -> memref<72x128xf32, #tpu.memory_space<vmem>>
      %dma_wait3A_1169 = arith.constant 128 : i32
      %dma_wait3A_1170 = tpu.memref_slice %arg6[%rem3A_82, %dma_wait3A_1163, %dma_wait3A_1169] : memref<2x16x200xi32, #tpu.memory_space<vmem>> -> memref<1x1x72xi32, #tpu.memory_space<vmem>>
      %dma_wait3A_1171 = tpu.memref_squeeze %dma_wait3A_1170 : memref<1x1x72xi32, #tpu.memory_space<vmem>> -> memref<72xi32, #tpu.memory_space<vmem>>
      %dma_wait3A_1172 = arith.constant 0 : i32
      %dma_wait3A_1173 = arith.constant 0 : i32
      %dma_wait3A_1174 = tpu.memref_slice %arg5[%dma_wait3A_1172, %dma_wait3A_1173] : memref<30x128xf32, #tpu.memory_space<vmem_shared>> -> memref<30x128xf32, #tpu.memory_space<vmem_shared>>
      tpu.wait_indirect_dma semaphore(%arg10 : memref<!tpu.dma_semaphore, #tpu.memory_space<semaphore_mem>>) src(%dma_wait3A_1174 : memref<30x128xf32, #tpu.memory_space<vmem_shared>>) dst(%dma_wait3A_1168 : memref<72x128xf32, #tpu.memory_space<vmem>>)
      %add3A_1175 = arith.constant 2600 : i32
      %add3A_1176 = arith.addi %mul3A_99, %add3A_1175 : i32
      %dma_start3A_1177 = arith.constant 1 : i32
      %dma_start3A_1178 = arith.constant 0 : i32
      %dma_start3A_1179 = arith.constant 0 : i32
      %dma_start3A_1180 = tpu.memref_slice %arg7[%dma_start3A_1177, %dma_start3A_1178, %dma_start3A_1179] : memref<4x200x128xf32, #tpu.memory_space<vmem>> -> memref<1x200x128xf32, #tpu.memory_space<vmem>>
      %dma_start3A_1181 = tpu.memref_squeeze %dma_start3A_1180 : memref<1x200x128xf32, #tpu.memory_space<vmem>> -> memref<200x128xf32, #tpu.memory_space<vmem>>
      %dma_start3A_1182 = arith.constant 0 : i32
      %dma_start3A_1183 = tpu.memref_slice %arg4[%add3A_1176, %dma_start3A_1182] : memref<3276800x128xf32, #tpu.memory_space<hbm>> -> memref<200x128xf32, #tpu.memory_space<hbm>>
      %dma_start3A_1184 = arith.constant 0 : i32
      %dma_start3A_1185 = tpu.memref_slice %arg4[%add3A_1176, %dma_start3A_1184] : memref<3276800x128xf32, #tpu.memory_space<hbm>> -> memref<200x128xf32, #tpu.memory_space<hbm>>
      %dma_start3A_1186 = arith.constant 0 : i32
      %dma_start3A_1187 = arith.constant 0 : i32
      %dma_start3A_1188 = tpu.memref_slice %arg7[%dma_start3A_1177, %dma_start3A_1186, %dma_start3A_1187] : memref<4x200x128xf32, #tpu.memory_space<vmem>> -> memref<1x200x128xf32, #tpu.memory_space<vmem>>
      %dma_start3A_1189 = tpu.memref_squeeze %dma_start3A_1188 : memref<1x200x128xf32, #tpu.memory_space<vmem>> -> memref<200x128xf32, #tpu.memory_space<vmem>>
      tpu.enqueue_dma source(%dma_start3A_1189 : memref<200x128xf32, #tpu.memory_space<vmem>>) target(%dma_start3A_1185 : memref<200x128xf32, #tpu.memory_space<hbm>>) target_semaphore(%arg14 : memref<!tpu.dma_semaphore, #tpu.memory_space<semaphore_mem>>)
      %mul3A_1190 = arith.constant 200 : i32
      %mul3A_1191 = arith.muli %mul3A_2, %mul3A_1190 : i32
      %dma_wait3A_1192 = arith.constant 3 : i32
      %dma_wait3A_1193 = arith.constant 0 : i32
      %dma_wait3A_1194 = arith.constant 0 : i32
      %dma_wait3A_1195 = tpu.memref_slice %arg7[%dma_wait3A_1192, %dma_wait3A_1193, %dma_wait3A_1194] : memref<4x200x128xf32, #tpu.memory_space<vmem>> -> memref<1x200x128xf32, #tpu.memory_space<vmem>>
      %dma_wait3A_1196 = tpu.memref_squeeze %dma_wait3A_1195 : memref<1x200x128xf32, #tpu.memory_space<vmem>> -> memref<200x128xf32, #tpu.memory_space<vmem>>
      %dma_wait3A_1197 = arith.constant 0 : i32
      %dma_wait3A_1198 = tpu.memref_slice %arg4[%mul3A_1191, %dma_wait3A_1197] : memref<3276800x128xf32, #tpu.memory_space<hbm>> -> memref<200x128xf32, #tpu.memory_space<hbm>>
      %dma_wait3A_1199 = arith.constant 0 : i32
      %dma_wait3A_1200 = tpu.memref_slice %arg4[%mul3A_1191, %dma_wait3A_1199] : memref<3276800x128xf32, #tpu.memory_space<hbm>> -> memref<200x128xf32, #tpu.memory_space<hbm>>
      %dma_wait3A_1201 = arith.constant 0 : i32
      %dma_wait3A_1202 = arith.constant 0 : i32
      %dma_wait3A_1203 = tpu.memref_slice %arg7[%dma_wait3A_1192, %dma_wait3A_1201, %dma_wait3A_1202] : memref<4x200x128xf32, #tpu.memory_space<vmem>> -> memref<1x200x128xf32, #tpu.memory_space<vmem>>
      %dma_wait3A_1204 = tpu.memref_squeeze %dma_wait3A_1203 : memref<1x200x128xf32, #tpu.memory_space<vmem>> -> memref<200x128xf32, #tpu.memory_space<vmem>>
      tpu.wait_dma2 semaphore(%arg16 : memref<!tpu.dma_semaphore, #tpu.memory_space<semaphore_mem>>) src(%dma_wait3A_1204 : memref<200x128xf32, #tpu.memory_space<vmem>>) dst(%dma_wait3A_1200 : memref<200x128xf32, #tpu.memory_space<hbm>>)
      %dma_start3A_1205 = arith.constant 15 : i32
      %dma_start3A_1206 = arith.constant 3 : i32
      %dma_start3A_1207 = arith.constant 0 : i32
      %dma_start3A_1208 = arith.constant 0 : i32
      %dma_start3A_1209 = tpu.memref_slice %arg7[%dma_start3A_1206, %dma_start3A_1207, %dma_start3A_1208] : memref<4x200x128xf32, #tpu.memory_space<vmem>> -> memref<1x128x128xf32, #tpu.memory_space<vmem>>
      %dma_start3A_1210 = tpu.memref_squeeze %dma_start3A_1209 : memref<1x128x128xf32, #tpu.memory_space<vmem>> -> memref<128x128xf32, #tpu.memory_space<vmem>>
      %dma_start3A_1211 = arith.constant 0 : i32
      %dma_start3A_1212 = tpu.memref_slice %arg6[%rem3A_82, %dma_start3A_1205, %dma_start3A_1211] : memref<2x16x200xi32, #tpu.memory_space<vmem>> -> memref<1x1x128xi32, #tpu.memory_space<vmem>>
      %dma_start3A_1213 = tpu.memref_squeeze %dma_start3A_1212 : memref<1x1x128xi32, #tpu.memory_space<vmem>> -> memref<128xi32, #tpu.memory_space<vmem>>
      %dma_start3A_1214 = arith.constant 0 : i32
      %dma_start3A_1215 = arith.constant 0 : i32
      %dma_start3A_1216 = tpu.memref_slice %arg5[%dma_start3A_1214, %dma_start3A_1215] : memref<30x128xf32, #tpu.memory_space<vmem_shared>> -> memref<30x128xf32, #tpu.memory_space<vmem_shared>>
      tpu.enqueue_indirect_dma source(%dma_start3A_1216 : memref<30x128xf32, #tpu.memory_space<vmem_shared>>) target(%dma_start3A_1210 : memref<128x128xf32, #tpu.memory_space<vmem>>) offsets(%dma_start3A_1213 : memref<128xi32, #tpu.memory_space<vmem>>) semaphore(%arg12 : memref<!tpu.dma_semaphore, #tpu.memory_space<semaphore_mem>>)
      %dma_start3A_1217 = arith.constant 15 : i32
      %dma_start3A_1218 = arith.constant 3 : i32
      %dma_start3A_1219 = arith.constant 128 : i32
      %dma_start3A_1220 = arith.constant 0 : i32
      %dma_start3A_1221 = tpu.memref_slice %arg7[%dma_start3A_1218, %dma_start3A_1219, %dma_start3A_1220] : memref<4x200x128xf32, #tpu.memory_space<vmem>> -> memref<1x72x128xf32, #tpu.memory_space<vmem>>
      %dma_start3A_1222 = tpu.memref_squeeze %dma_start3A_1221 : memref<1x72x128xf32, #tpu.memory_space<vmem>> -> memref<72x128xf32, #tpu.memory_space<vmem>>
      %dma_start3A_1223 = arith.constant 128 : i32
      %dma_start3A_1224 = tpu.memref_slice %arg6[%rem3A_82, %dma_start3A_1217, %dma_start3A_1223] : memref<2x16x200xi32, #tpu.memory_space<vmem>> -> memref<1x1x72xi32, #tpu.memory_space<vmem>>
      %dma_start3A_1225 = tpu.memref_squeeze %dma_start3A_1224 : memref<1x1x72xi32, #tpu.memory_space<vmem>> -> memref<72xi32, #tpu.memory_space<vmem>>
      %dma_start3A_1226 = arith.constant 0 : i32
      %dma_start3A_1227 = arith.constant 0 : i32
      %dma_start3A_1228 = tpu.memref_slice %arg5[%dma_start3A_1226, %dma_start3A_1227] : memref<30x128xf32, #tpu.memory_space<vmem_shared>> -> memref<30x128xf32, #tpu.memory_space<vmem_shared>>
      tpu.enqueue_indirect_dma source(%dma_start3A_1228 : memref<30x128xf32, #tpu.memory_space<vmem_shared>>) target(%dma_start3A_1222 : memref<72x128xf32, #tpu.memory_space<vmem>>) offsets(%dma_start3A_1225 : memref<72xi32, #tpu.memory_space<vmem>>) semaphore(%arg12 : memref<!tpu.dma_semaphore, #tpu.memory_space<semaphore_mem>>)
      %dma_wait3A_1229 = arith.constant 14 : i32
      %dma_wait3A_1230 = arith.constant 2 : i32
      %dma_wait3A_1231 = arith.constant 0 : i32
      %dma_wait3A_1232 = arith.constant 0 : i32
      %dma_wait3A_1233 = tpu.memref_slice %arg7[%dma_wait3A_1230, %dma_wait3A_1231, %dma_wait3A_1232] : memref<4x200x128xf32, #tpu.memory_space<vmem>> -> memref<1x128x128xf32, #tpu.memory_space<vmem>>
      %dma_wait3A_1234 = tpu.memref_squeeze %dma_wait3A_1233 : memref<1x128x128xf32, #tpu.memory_space<vmem>> -> memref<128x128xf32, #tpu.memory_space<vmem>>
      %dma_wait3A_1235 = arith.constant 0 : i32
      %dma_wait3A_1236 = tpu.memref_slice %arg6[%rem3A_82, %dma_wait3A_1229, %dma_wait3A_1235] : memref<2x16x200xi32, #tpu.memory_space<vmem>> -> memref<1x1x128xi32, #tpu.memory_space<vmem>>
      %dma_wait3A_1237 = tpu.memref_squeeze %dma_wait3A_1236 : memref<1x1x128xi32, #tpu.memory_space<vmem>> -> memref<128xi32, #tpu.memory_space<vmem>>
      %dma_wait3A_1238 = arith.constant 0 : i32
      %dma_wait3A_1239 = arith.constant 0 : i32
      %dma_wait3A_1240 = tpu.memref_slice %arg5[%dma_wait3A_1238, %dma_wait3A_1239] : memref<30x128xf32, #tpu.memory_space<vmem_shared>> -> memref<30x128xf32, #tpu.memory_space<vmem_shared>>
      tpu.wait_indirect_dma semaphore(%arg11 : memref<!tpu.dma_semaphore, #tpu.memory_space<semaphore_mem>>) src(%dma_wait3A_1240 : memref<30x128xf32, #tpu.memory_space<vmem_shared>>) dst(%dma_wait3A_1234 : memref<128x128xf32, #tpu.memory_space<vmem>>)
      %dma_wait3A_1241 = arith.constant 14 : i32
      %dma_wait3A_1242 = arith.constant 2 : i32
      %dma_wait3A_1243 = arith.constant 128 : i32
      %dma_wait3A_1244 = arith.constant 0 : i32
      %dma_wait3A_1245 = tpu.memref_slice %arg7[%dma_wait3A_1242, %dma_wait3A_1243, %dma_wait3A_1244] : memref<4x200x128xf32, #tpu.memory_space<vmem>> -> memref<1x72x128xf32, #tpu.memory_space<vmem>>
      %dma_wait3A_1246 = tpu.memref_squeeze %dma_wait3A_1245 : memref<1x72x128xf32, #tpu.memory_space<vmem>> -> memref<72x128xf32, #tpu.memory_space<vmem>>
      %dma_wait3A_1247 = arith.constant 128 : i32
      %dma_wait3A_1248 = tpu.memref_slice %arg6[%rem3A_82, %dma_wait3A_1241, %dma_wait3A_1247] : memref<2x16x200xi32, #tpu.memory_space<vmem>> -> memref<1x1x72xi32, #tpu.memory_space<vmem>>
      %dma_wait3A_1249 = tpu.memref_squeeze %dma_wait3A_1248 : memref<1x1x72xi32, #tpu.memory_space<vmem>> -> memref<72xi32, #tpu.memory_space<vmem>>
      %dma_wait3A_1250 = arith.constant 0 : i32
      %dma_wait3A_1251 = arith.constant 0 : i32
      %dma_wait3A_1252 = tpu.memref_slice %arg5[%dma_wait3A_1250, %dma_wait3A_1251] : memref<30x128xf32, #tpu.memory_space<vmem_shared>> -> memref<30x128xf32, #tpu.memory_space<vmem_shared>>
      tpu.wait_indirect_dma semaphore(%arg11 : memref<!tpu.dma_semaphore, #tpu.memory_space<semaphore_mem>>) src(%dma_wait3A_1252 : memref<30x128xf32, #tpu.memory_space<vmem_shared>>) dst(%dma_wait3A_1246 : memref<72x128xf32, #tpu.memory_space<vmem>>)
      %add3A_1253 = arith.constant 2800 : i32
      %add3A_1254 = arith.addi %mul3A_99, %add3A_1253 : i32
      %dma_start3A_1255 = arith.constant 2 : i32
      %dma_start3A_1256 = arith.constant 0 : i32
      %dma_start3A_1257 = arith.constant 0 : i32
      %dma_start3A_1258 = tpu.memref_slice %arg7[%dma_start3A_1255, %dma_start3A_1256, %dma_start3A_1257] : memref<4x200x128xf32, #tpu.memory_space<vmem>> -> memref<1x200x128xf32, #tpu.memory_space<vmem>>
      %dma_start3A_1259 = tpu.memref_squeeze %dma_start3A_1258 : memref<1x200x128xf32, #tpu.memory_space<vmem>> -> memref<200x128xf32, #tpu.memory_space<vmem>>
      %dma_start3A_1260 = arith.constant 0 : i32
      %dma_start3A_1261 = tpu.memref_slice %arg4[%add3A_1254, %dma_start3A_1260] : memref<3276800x128xf32, #tpu.memory_space<hbm>> -> memref<200x128xf32, #tpu.memory_space<hbm>>
      %dma_start3A_1262 = arith.constant 0 : i32
      %dma_start3A_1263 = tpu.memref_slice %arg4[%add3A_1254, %dma_start3A_1262] : memref<3276800x128xf32, #tpu.memory_space<hbm>> -> memref<200x128xf32, #tpu.memory_space<hbm>>
      %dma_start3A_1264 = arith.constant 0 : i32
      %dma_start3A_1265 = arith.constant 0 : i32
      %dma_start3A_1266 = tpu.memref_slice %arg7[%dma_start3A_1255, %dma_start3A_1264, %dma_start3A_1265] : memref<4x200x128xf32, #tpu.memory_space<vmem>> -> memref<1x200x128xf32, #tpu.memory_space<vmem>>
      %dma_start3A_1267 = tpu.memref_squeeze %dma_start3A_1266 : memref<1x200x128xf32, #tpu.memory_space<vmem>> -> memref<200x128xf32, #tpu.memory_space<vmem>>
      tpu.enqueue_dma source(%dma_start3A_1267 : memref<200x128xf32, #tpu.memory_space<vmem>>) target(%dma_start3A_1263 : memref<200x128xf32, #tpu.memory_space<hbm>>) target_semaphore(%arg15 : memref<!tpu.dma_semaphore, #tpu.memory_space<semaphore_mem>>)
      %dma_wait3A_1268 = arith.constant 15 : i32
      %dma_wait3A_1269 = arith.constant 3 : i32
      %dma_wait3A_1270 = arith.constant 0 : i32
      %dma_wait3A_1271 = arith.constant 0 : i32
      %dma_wait3A_1272 = tpu.memref_slice %arg7[%dma_wait3A_1269, %dma_wait3A_1270, %dma_wait3A_1271] : memref<4x200x128xf32, #tpu.memory_space<vmem>> -> memref<1x128x128xf32, #tpu.memory_space<vmem>>
      %dma_wait3A_1273 = tpu.memref_squeeze %dma_wait3A_1272 : memref<1x128x128xf32, #tpu.memory_space<vmem>> -> memref<128x128xf32, #tpu.memory_space<vmem>>
      %dma_wait3A_1274 = arith.constant 0 : i32
      %dma_wait3A_1275 = tpu.memref_slice %arg6[%rem3A_82, %dma_wait3A_1268, %dma_wait3A_1274] : memref<2x16x200xi32, #tpu.memory_space<vmem>> -> memref<1x1x128xi32, #tpu.memory_space<vmem>>
      %dma_wait3A_1276 = tpu.memref_squeeze %dma_wait3A_1275 : memref<1x1x128xi32, #tpu.memory_space<vmem>> -> memref<128xi32, #tpu.memory_space<vmem>>
      %dma_wait3A_1277 = arith.constant 0 : i32
      %dma_wait3A_1278 = arith.constant 0 : i32
      %dma_wait3A_1279 = tpu.memref_slice %arg5[%dma_wait3A_1277, %dma_wait3A_1278] : memref<30x128xf32, #tpu.memory_space<vmem_shared>> -> memref<30x128xf32, #tpu.memory_space<vmem_shared>>
      tpu.wait_indirect_dma semaphore(%arg12 : memref<!tpu.dma_semaphore, #tpu.memory_space<semaphore_mem>>) src(%dma_wait3A_1279 : memref<30x128xf32, #tpu.memory_space<vmem_shared>>) dst(%dma_wait3A_1273 : memref<128x128xf32, #tpu.memory_space<vmem>>)
      %dma_wait3A_1280 = arith.constant 15 : i32
      %dma_wait3A_1281 = arith.constant 3 : i32
      %dma_wait3A_1282 = arith.constant 128 : i32
      %dma_wait3A_1283 = arith.constant 0 : i32
      %dma_wait3A_1284 = tpu.memref_slice %arg7[%dma_wait3A_1281, %dma_wait3A_1282, %dma_wait3A_1283] : memref<4x200x128xf32, #tpu.memory_space<vmem>> -> memref<1x72x128xf32, #tpu.memory_space<vmem>>
      %dma_wait3A_1285 = tpu.memref_squeeze %dma_wait3A_1284 : memref<1x72x128xf32, #tpu.memory_space<vmem>> -> memref<72x128xf32, #tpu.memory_space<vmem>>
      %dma_wait3A_1286 = arith.constant 128 : i32
      %dma_wait3A_1287 = tpu.memref_slice %arg6[%rem3A_82, %dma_wait3A_1280, %dma_wait3A_1286] : memref<2x16x200xi32, #tpu.memory_space<vmem>> -> memref<1x1x72xi32, #tpu.memory_space<vmem>>
      %dma_wait3A_1288 = tpu.memref_squeeze %dma_wait3A_1287 : memref<1x1x72xi32, #tpu.memory_space<vmem>> -> memref<72xi32, #tpu.memory_space<vmem>>
      %dma_wait3A_1289 = arith.constant 0 : i32
      %dma_wait3A_1290 = arith.constant 0 : i32
      %dma_wait3A_1291 = tpu.memref_slice %arg5[%dma_wait3A_1289, %dma_wait3A_1290] : memref<30x128xf32, #tpu.memory_space<vmem_shared>> -> memref<30x128xf32, #tpu.memory_space<vmem_shared>>
      tpu.wait_indirect_dma semaphore(%arg12 : memref<!tpu.dma_semaphore, #tpu.memory_space<semaphore_mem>>) src(%dma_wait3A_1291 : memref<30x128xf32, #tpu.memory_space<vmem_shared>>) dst(%dma_wait3A_1285 : memref<72x128xf32, #tpu.memory_space<vmem>>)
      %add3A_1292 = arith.constant 3000 : i32
      %add3A_1293 = arith.addi %mul3A_99, %add3A_1292 : i32
      %dma_start3A_1294 = arith.constant 3 : i32
      %dma_start3A_1295 = arith.constant 0 : i32
      %dma_start3A_1296 = arith.constant 0 : i32
      %dma_start3A_1297 = tpu.memref_slice %arg7[%dma_start3A_1294, %dma_start3A_1295, %dma_start3A_1296] : memref<4x200x128xf32, #tpu.memory_space<vmem>> -> memref<1x200x128xf32, #tpu.memory_space<vmem>>
      %dma_start3A_1298 = tpu.memref_squeeze %dma_start3A_1297 : memref<1x200x128xf32, #tpu.memory_space<vmem>> -> memref<200x128xf32, #tpu.memory_space<vmem>>
      %dma_start3A_1299 = arith.constant 0 : i32
      %dma_start3A_1300 = tpu.memref_slice %arg4[%add3A_1293, %dma_start3A_1299] : memref<3276800x128xf32, #tpu.memory_space<hbm>> -> memref<200x128xf32, #tpu.memory_space<hbm>>
      %dma_start3A_1301 = arith.constant 0 : i32
      %dma_start3A_1302 = tpu.memref_slice %arg4[%add3A_1293, %dma_start3A_1301] : memref<3276800x128xf32, #tpu.memory_space<hbm>> -> memref<200x128xf32, #tpu.memory_space<hbm>>
      %dma_start3A_1303 = arith.constant 0 : i32
      %dma_start3A_1304 = arith.constant 0 : i32
      %dma_start3A_1305 = tpu.memref_slice %arg7[%dma_start3A_1294, %dma_start3A_1303, %dma_start3A_1304] : memref<4x200x128xf32, #tpu.memory_space<vmem>> -> memref<1x200x128xf32, #tpu.memory_space<vmem>>
      %dma_start3A_1306 = tpu.memref_squeeze %dma_start3A_1305 : memref<1x200x128xf32, #tpu.memory_space<vmem>> -> memref<200x128xf32, #tpu.memory_space<vmem>>
      tpu.enqueue_dma source(%dma_start3A_1306 : memref<200x128xf32, #tpu.memory_space<vmem>>) target(%dma_start3A_1302 : memref<200x128xf32, #tpu.memory_space<hbm>>) target_semaphore(%arg16 : memref<!tpu.dma_semaphore, #tpu.memory_space<semaphore_mem>>)
      %lt3A = arith.constant 31 : i32
      %lt3A_1307 = arith.cmpi slt, %scan3A_81, %lt3A : i32
      %convert_element_type3A_1308 = arith.extui %lt3A_1307 : i1 to i32
      %cond3A_1309 = arith.constant 0 : i32
      %cond3A_1310 = arith.cmpi ne, %convert_element_type3A_1308, %cond3A_1309 : i32
      scf.if %cond3A_1310 {
        %add3A_1311 = arith.constant 1 : i32
        %add3A_1312 = arith.addi %scan3A_81, %add3A_1311 : i32
        %mul3A_1313 = arith.constant 16 : i32
        %mul3A_1314 = arith.muli %add3A_1312, %mul3A_1313 : i32
        %add3A_1315 = arith.addi %mul3A_2, %mul3A_1314 : i32
        %sub3A = arith.constant 1 : i32
        %sub3A_1316 = arith.subi %sub3A, %rem3A_82 : i32
        %dma_start3A_1317 = arith.constant 0 : i32
        %dma_start3A_1318 = arith.constant 0 : i32
        %dma_start3A_1319 = tpu.memref_slice %arg6[%sub3A_1316, %dma_start3A_1317, %dma_start3A_1318] : memref<2x16x200xi32, #tpu.memory_space<vmem>> -> memref<1x16x200xi32, #tpu.memory_space<vmem>>
        %dma_start3A_1320 = tpu.memref_squeeze %dma_start3A_1319 : memref<1x16x200xi32, #tpu.memory_space<vmem>> -> memref<16x200xi32, #tpu.memory_space<vmem>>
        %dma_start3A_1321 = arith.constant 0 : i32
        %dma_start3A_1322 = tpu.memref_slice %arg2[%add3A_1315, %dma_start3A_1321] : memref<16384x200xi32, #tpu.memory_space<hbm>> -> memref<16x200xi32, #tpu.memory_space<hbm>>
        %dma_start3A_1323 = arith.constant 0 : i32
        %dma_start3A_1324 = arith.constant 0 : i32
        %dma_start3A_1325 = tpu.memref_slice %arg6[%sub3A_1316, %dma_start3A_1323, %dma_start3A_1324] : memref<2x16x200xi32, #tpu.memory_space<vmem>> -> memref<1x16x200xi32, #tpu.memory_space<vmem>>
        %dma_start3A_1326 = tpu.memref_squeeze %dma_start3A_1325 : memref<1x16x200xi32, #tpu.memory_space<vmem>> -> memref<16x200xi32, #tpu.memory_space<vmem>>
        %dma_start3A_1327 = arith.constant 0 : i32
        %dma_start3A_1328 = tpu.memref_slice %arg2[%add3A_1315, %dma_start3A_1327] : memref<16384x200xi32, #tpu.memory_space<hbm>> -> memref<16x200xi32, #tpu.memory_space<hbm>>
        tpu.enqueue_dma source(%dma_start3A_1328 : memref<16x200xi32, #tpu.memory_space<hbm>>) target(%dma_start3A_1326 : memref<16x200xi32, #tpu.memory_space<vmem>>) target_semaphore(%arg8 : memref<!tpu.dma_semaphore, #tpu.memory_space<semaphore_mem>>)
      } else {
      }
    }
    %scan3A_21 = arith.constant 32 : i32
    %mul3A_22 = arith.constant 200 : i32
    %mul3A_23 = arith.muli %mul3A_2, %mul3A_22 : i32
    %dma_wait3A = arith.constant 0 : i32
    %dma_wait3A_24 = arith.constant 0 : i32
    %dma_wait3A_25 = arith.constant 0 : i32
    %dma_wait3A_26 = tpu.memref_slice %arg7[%dma_wait3A, %dma_wait3A_24, %dma_wait3A_25] : memref<4x200x128xf32, #tpu.memory_space<vmem>> -> memref<1x200x128xf32, #tpu.memory_space<vmem>>
    %dma_wait3A_27 = tpu.memref_squeeze %dma_wait3A_26 : memref<1x200x128xf32, #tpu.memory_space<vmem>> -> memref<200x128xf32, #tpu.memory_space<vmem>>
    %dma_wait3A_28 = arith.constant 0 : i32
    %dma_wait3A_29 = tpu.memref_slice %arg4[%mul3A_23, %dma_wait3A_28] : memref<3276800x128xf32, #tpu.memory_space<hbm>> -> memref<200x128xf32, #tpu.memory_space<hbm>>
    %dma_wait3A_30 = arith.constant 0 : i32
    %dma_wait3A_31 = tpu.memref_slice %arg4[%mul3A_23, %dma_wait3A_30] : memref<3276800x128xf32, #tpu.memory_space<hbm>> -> memref<200x128xf32, #tpu.memory_space<hbm>>
    %dma_wait3A_32 = arith.constant 0 : i32
    %dma_wait3A_33 = arith.constant 0 : i32
    %dma_wait3A_34 = tpu.memref_slice %arg7[%dma_wait3A, %dma_wait3A_32, %dma_wait3A_33] : memref<4x200x128xf32, #tpu.memory_space<vmem>> -> memref<1x200x128xf32, #tpu.memory_space<vmem>>
    %dma_wait3A_35 = tpu.memref_squeeze %dma_wait3A_34 : memref<1x200x128xf32, #tpu.memory_space<vmem>> -> memref<200x128xf32, #tpu.memory_space<vmem>>
    tpu.wait_dma2 semaphore(%arg13 : memref<!tpu.dma_semaphore, #tpu.memory_space<semaphore_mem>>) src(%dma_wait3A_35 : memref<200x128xf32, #tpu.memory_space<vmem>>) dst(%dma_wait3A_31 : memref<200x128xf32, #tpu.memory_space<hbm>>)
    %mul3A_36 = arith.constant 200 : i32
    %mul3A_37 = arith.muli %mul3A_2, %mul3A_36 : i32
    %dma_wait3A_38 = arith.constant 1 : i32
    %dma_wait3A_39 = arith.constant 0 : i32
    %dma_wait3A_40 = arith.constant 0 : i32
    %dma_wait3A_41 = tpu.memref_slice %arg7[%dma_wait3A_38, %dma_wait3A_39, %dma_wait3A_40] : memref<4x200x128xf32, #tpu.memory_space<vmem>> -> memref<1x200x128xf32, #tpu.memory_space<vmem>>
    %dma_wait3A_42 = tpu.memref_squeeze %dma_wait3A_41 : memref<1x200x128xf32, #tpu.memory_space<vmem>> -> memref<200x128xf32, #tpu.memory_space<vmem>>
    %dma_wait3A_43 = arith.constant 0 : i32
    %dma_wait3A_44 = tpu.memref_slice %arg4[%mul3A_37, %dma_wait3A_43] : memref<3276800x128xf32, #tpu.memory_space<hbm>> -> memref<200x128xf32, #tpu.memory_space<hbm>>
    %dma_wait3A_45 = arith.constant 0 : i32
    %dma_wait3A_46 = tpu.memref_slice %arg4[%mul3A_37, %dma_wait3A_45] : memref<3276800x128xf32, #tpu.memory_space<hbm>> -> memref<200x128xf32, #tpu.memory_space<hbm>>
    %dma_wait3A_47 = arith.constant 0 : i32
    %dma_wait3A_48 = arith.constant 0 : i32
    %dma_wait3A_49 = tpu.memref_slice %arg7[%dma_wait3A_38, %dma_wait3A_47, %dma_wait3A_48] : memref<4x200x128xf32, #tpu.memory_space<vmem>> -> memref<1x200x128xf32, #tpu.memory_space<vmem>>
    %dma_wait3A_50 = tpu.memref_squeeze %dma_wait3A_49 : memref<1x200x128xf32, #tpu.memory_space<vmem>> -> memref<200x128xf32, #tpu.memory_space<vmem>>
    tpu.wait_dma2 semaphore(%arg14 : memref<!tpu.dma_semaphore, #tpu.memory_space<semaphore_mem>>) src(%dma_wait3A_50 : memref<200x128xf32, #tpu.memory_space<vmem>>) dst(%dma_wait3A_46 : memref<200x128xf32, #tpu.memory_space<hbm>>)
    %mul3A_51 = arith.constant 200 : i32
    %mul3A_52 = arith.muli %mul3A_2, %mul3A_51 : i32
    %dma_wait3A_53 = arith.constant 2 : i32
    %dma_wait3A_54 = arith.constant 0 : i32
    %dma_wait3A_55 = arith.constant 0 : i32
    %dma_wait3A_56 = tpu.memref_slice %arg7[%dma_wait3A_53, %dma_wait3A_54, %dma_wait3A_55] : memref<4x200x128xf32, #tpu.memory_space<vmem>> -> memref<1x200x128xf32, #tpu.memory_space<vmem>>
    %dma_wait3A_57 = tpu.memref_squeeze %dma_wait3A_56 : memref<1x200x128xf32, #tpu.memory_space<vmem>> -> memref<200x128xf32, #tpu.memory_space<vmem>>
    %dma_wait3A_58 = arith.constant 0 : i32
    %dma_wait3A_59 = tpu.memref_slice %arg4[%mul3A_52, %dma_wait3A_58] : memref<3276800x128xf32, #tpu.memory_space<hbm>> -> memref<200x128xf32, #tpu.memory_space<hbm>>
    %dma_wait3A_60 = arith.constant 0 : i32
    %dma_wait3A_61 = tpu.memref_slice %arg4[%mul3A_52, %dma_wait3A_60] : memref<3276800x128xf32, #tpu.memory_space<hbm>> -> memref<200x128xf32, #tpu.memory_space<hbm>>
    %dma_wait3A_62 = arith.constant 0 : i32
    %dma_wait3A_63 = arith.constant 0 : i32
    %dma_wait3A_64 = tpu.memref_slice %arg7[%dma_wait3A_53, %dma_wait3A_62, %dma_wait3A_63] : memref<4x200x128xf32, #tpu.memory_space<vmem>> -> memref<1x200x128xf32, #tpu.memory_space<vmem>>
    %dma_wait3A_65 = tpu.memref_squeeze %dma_wait3A_64 : memref<1x200x128xf32, #tpu.memory_space<vmem>> -> memref<200x128xf32, #tpu.memory_space<vmem>>
    tpu.wait_dma2 semaphore(%arg15 : memref<!tpu.dma_semaphore, #tpu.memory_space<semaphore_mem>>) src(%dma_wait3A_65 : memref<200x128xf32, #tpu.memory_space<vmem>>) dst(%dma_wait3A_61 : memref<200x128xf32, #tpu.memory_space<hbm>>)
    %mul3A_66 = arith.constant 200 : i32
    %mul3A_67 = arith.muli %mul3A_2, %mul3A_66 : i32
    %dma_wait3A_68 = arith.constant 3 : i32
    %dma_wait3A_69 = arith.constant 0 : i32
    %dma_wait3A_70 = arith.constant 0 : i32
    %dma_wait3A_71 = tpu.memref_slice %arg7[%dma_wait3A_68, %dma_wait3A_69, %dma_wait3A_70] : memref<4x200x128xf32, #tpu.memory_space<vmem>> -> memref<1x200x128xf32, #tpu.memory_space<vmem>>
    %dma_wait3A_72 = tpu.memref_squeeze %dma_wait3A_71 : memref<1x200x128xf32, #tpu.memory_space<vmem>> -> memref<200x128xf32, #tpu.memory_space<vmem>>
    %dma_wait3A_73 = arith.constant 0 : i32
    %dma_wait3A_74 = tpu.memref_slice %arg4[%mul3A_67, %dma_wait3A_73] : memref<3276800x128xf32, #tpu.memory_space<hbm>> -> memref<200x128xf32, #tpu.memory_space<hbm>>
    %dma_wait3A_75 = arith.constant 0 : i32
    %dma_wait3A_76 = tpu.memref_slice %arg4[%mul3A_67, %dma_wait3A_75] : memref<3276800x128xf32, #tpu.memory_space<hbm>> -> memref<200x128xf32, #tpu.memory_space<hbm>>
    %dma_wait3A_77 = arith.constant 0 : i32
    %dma_wait3A_78 = arith.constant 0 : i32
    %dma_wait3A_79 = tpu.memref_slice %arg7[%dma_wait3A_68, %dma_wait3A_77, %dma_wait3A_78] : memref<4x200x128xf32, #tpu.memory_space<vmem>> -> memref<1x200x128xf32, #tpu.memory_space<vmem>>
    %dma_wait3A_80 = tpu.memref_squeeze %dma_wait3A_79 : memref<1x200x128xf32, #tpu.memory_space<vmem>> -> memref<200x128xf32, #tpu.memory_space<vmem>>
    tpu.wait_dma2 semaphore(%arg16 : memref<!tpu.dma_semaphore, #tpu.memory_space<semaphore_mem>>) src(%dma_wait3A_80 : memref<200x128xf32, #tpu.memory_space<vmem>>) dst(%dma_wait3A_76 : memref<200x128xf32, #tpu.memory_space<hbm>>)
    return
  }
}

</mosaic_0001>

<sc_bundles>
// kernel: kernel.3.cloned.1.call-start
scs
__scs_entry_jumppad:
0x0: {  	(pc) =	sbr.rel $0x88, $3  }
0x1: {  	(tag) =	ssettag $0x0;
	lr =	simm.s32 $0x1  }
0x2: {  	[smem:$0x3F9F] =	sst lr;
	_ =	strace $0xD0000000  }
0x3: {  	_ = 	snop  }
0x4: {  	_ = 	snop  }
0x5: {  	_ = 	snop  }
0x6: {  	_ = 	snop  }
0x7: {  	_ = 	snop  }
__scs_overlays_trampoline_lowered:
0x8: {  	[smem:$0x3FAE] =	sst s0  }
0x9: {  	[smem:$0x3FAF] =	sst s1  }
0xa: {  	[smem:$0x3FB0] =	sst s2  }
0xb: {  	[smem:$0x3FB1] =	sst s3  }
0xc: {  	[smem:$0x3FB2] =	sst s4  }
0xd: {  	[smem:$0x3FB3] =	sst s5  }
0xe: {  	[smem:$0x3FB4] =	sst s6  }
0xf: {  	[smem:$0x3FB5] =	sst s7  }
0x10: {  	[smem:$0x3FB6] =	sst s8  }
0x11: {  	[smem:$0x3FB7] =	sst s9;
	s0 =	simm.s32 @!p0 $0x0  }
0x12: {  	s1 =	sld [smem:$0x3F9D];
	s0 =	simm.s32 @p0 $0x1  }
0x13: {  	[smem:$0x3FB8] =	sst s0;
	s0 =	simm.s32 @!p1 $0x0  }
0x14: {  	s2 =	sld [smem:$0x3F9C];
	s0 =	simm.s32 @p1 $0x1  }
0x15: {  	[smem:$0x3FB9] =	sst s0;
	s0 =	simm.s32 @!p2 $0x0  }
0x16: {  	s3 =	sld [smem:$0x3FDB];
	s0 =	simm.s32 @p2 $0x1  }
0x17: {  	s4 =	simm.s32 $0x1BF5;
	[smem:$0x3FBB] =	sst s0  }
0x18: {  	s0 =	sld [smem:$0x3F9E];
	_ =	swait.ge [sflag:s4], $0x0  }
0x19: {  	s7 =	sld [smem:$0x3F9F]  }
0x1a: {  	s8 =	sadd.s32 $0xFFFFE003, lr  }
0x1b: {  	s9 =	sadd.s32 $0xFFFFFEF7, lr;
	s5 =	simm.s32 $0xFFFFFFFF;
	p2 =	slt.u32 s8, $0xFFFFF086  }
0x1c: {  	p1 =	slt.u32 s9, $0xF7A;
	s5 =	simm.s32 @!p2 $0x0  }
0x1d: {  	s5 =	simm.s32 @p1 $0x1;
	p0 =	seq.s32 s7, s2  }
0x1e: {  	s7 =	smul.u32 @!p0 $0xF7A, s2;
	p2 =	seq.s32 @!p0 s5, $0x0  }
0x1f: {  	s9 =	smul.u32 $0xF7A, s1;
	s8 =	simm.s32 @!p0 $0x1BF5;
	p2 =	por !p2, p0  }
0x20: {  	[sflag:s8] =	ssyncset.s32 @!p0 $0xFFFFF086;
	s6 =	sadd.s32 @!p0 s3, s7;
	s7 =	simm.s32 @!p0 $0x108  }
0x21: {  	s3 =	sadd.s32 s3, s9;
	s6 =	sadd.s32 @!p0 $0x88, s6;
	s7 =	simm.s32 @p2 $0x1082  }
0x22: {  	[simem:s7], [sflag:s8] =	dma.local @!p0 [hbm:s6], $0xF7A  }
0x23: {  	s9 =	sor.u32 $0xD0000000, s2;
	s6 =	simm.s32 $0x108;
	_ =	swait.ge @!p0 [sflag:s8], $0x0  }
0x24: {  	s3 =	sadd.s32 $0x88, s3;
	s6 =	simm.s32 @!p1 $0x1082;
	[sflag:s4] =	ssyncset.s32 $0xFFFFF086  }
0x25: {  	[simem:s6], [sflag:s4] =	dma.local [hbm:s3], $0xF7A  }
0x26: {  	[smem:$0x3F9F] =	sst s1;
	(tag) =	ssettag s2;
	_ =	strace s9  }
0x27: {  	s1 =	sld [smem:$0x3FAF]  }
0x28: {  	s2 =	sld [smem:$0x3FB0]  }
0x29: {  	s4 =	sld [smem:$0x3FB2]  }
0x2a: {  	p0 =	seq.s32 s5, $0x0;
	s5 =	sld [smem:$0x3FB3]  }
0x2b: {  	s6 =	sld [smem:$0x3FB4]  }
0x2c: {  	s7 =	sld [smem:$0x3FB5]  }
0x2d: {  	s3 =	simm.s32 $0x108;
	s8 =	sld [smem:$0x3FB6]  }
0x2e: {  	s3 =	simm.s32 @!p0 $0x1082;
	s9 =	sld [smem:$0x3FB7]  }
0x2f: {  	lr =	sadd.s32 s0, s3;
	s0 =	sld [smem:$0x3FAE]  }
0x30: {  	s3 =	sld [smem:$0x3FB1]  }
0x31: {  	[smem:$0x3FBA] =	sst s10  }
0x32: {  	s10 =	sld [smem:$0x3FB8];
	_ =	sdelay $0x3  }
0x33: {  	p0 =	seq.s32 s10, $0x1;
	s10 =	sld [smem:$0x3FBA];
	_ =	sdelay $0x3  }
0x34: {  	[smem:$0x3FBA] =	sst s10  }
0x35: {  	s10 =	sld [smem:$0x3FB9];
	_ =	sdelay $0x3  }
0x36: {  	p1 =	seq.s32 s10, $0x1;
	s10 =	sld [smem:$0x3FBA];
	_ =	sdelay $0x3  }
0x37: {  	[smem:$0x3FBA] =	sst s10  }
0x38: {  	s10 =	sld [smem:$0x3FBB]  }
0x39: {  	_ = 	snop;
	(pc) =	sbr.ind lr, $3  }
0x3a: {  	_ = 	snop  }
0x3b: {  	_ = 	snop  }
0x3c: {  	p2 =	seq.s32 s10, $0x1;
	s10 =	sld [smem:$0x3FBA]  }
0x3d: {  	_ =	shalt  }
0x3e: {  	_ =	shalt  }
0x3f: {  	_ =	shalt  }
0x40: {  	_ =	shalt  }
0x41: {  	_ =	shalt  }
0x42: {  	_ =	shalt  }
0x43: {  	_ =	shalt  }
0x44: {  	_ =	shalt  }
0x45: {  	_ =	shalt  }
0x46: {  	_ =	shalt  }
0x47: {  	_ =	shalt  }
0x48: {  	_ =	shalt  }
0x49: {  	_ =	shalt  }
0x4a: {  	_ =	shalt  }
0x4b: {  	_ =	shalt  }
0x4c: {  	_ =	shalt  }
0x4d: {  	_ =	shalt  }
0x4e: {  	_ =	shalt  }
0x4f: {  	_ =	shalt  }
0x50: {  	_ =	shalt  }
0x51: {  	_ =	shalt  }
0x52: {  	_ =	shalt  }
0x53: {  	_ =	shalt  }
0x54: {  	_ =	shalt  }
0x55: {  	_ =	shalt  }
0x56: {  	_ =	shalt  }
0x57: {  	_ =	shalt  }
0x58: {  	_ =	shalt  }
0x59: {  	_ =	shalt  }
0x5a: {  	_ =	shalt  }
0x5b: {  	_ =	shalt  }
0x5c: {  	_ =	shalt  }
0x5d: {  	_ =	shalt  }
0x5e: {  	_ =	shalt  }
0x5f: {  	_ =	shalt  }
0x60: {  	_ =	shalt  }
0x61: {  	_ =	shalt  }
0x62: {  	_ =	shalt  }
0x63: {  	_ =	shalt  }
0x64: {  	_ =	shalt  }
0x65: {  	_ =	shalt  }
0x66: {  	_ =	shalt  }
0x67: {  	_ =	shalt  }
0x68: {  	_ =	shalt  }
0x69: {  	_ =	shalt  }
0x6a: {  	_ =	shalt  }
0x6b: {  	_ =	shalt  }
0x6c: {  	_ =	shalt  }
0x6d: {  	_ =	shalt  }
0x6e: {  	_ =	shalt  }
0x6f: {  	_ =	shalt  }
0x70: {  	_ =	shalt  }
0x71: {  	_ =	shalt  }
0x72: {  	_ =	shalt  }
0x73: {  	_ =	shalt  }
0x74: {  	_ =	shalt  }
0x75: {  	_ =	shalt  }
0x76: {  	_ =	shalt  }
0x77: {  	_ =	shalt  }
0x78: {  	_ =	shalt  }
0x79: {  	_ =	shalt  }
0x7a: {  	_ =	shalt  }
0x7b: {  	_ =	shalt  }
0x7c: {  	_ =	shalt  }
0x7d: {  	_ =	shalt  }
0x7e: {  	_ =	shalt  }
0x7f: {  	_ =	shalt  }
0x80: {  	_ =	shalt  }
0x81: {  	_ =	shalt  }
0x82: {  	_ =	shalt  }
0x83: {  	_ =	shalt  }
0x84: {  	_ =	shalt  }
0x85: {  	_ =	shalt  }
0x86: {  	_ =	shalt  }
0x87: {  	_ =	shalt  }
.Lfunc_end0:
.L_simem_size_0:
called_computation_lowered:
.L_overlay_start_0:
0x88: {  	s2 =	sld [smem:$0x3FD9]  }
0x89: {  	s3 =	sld [smem:$0x3FFE];
	_ =	sdelay $0x1  }
0x8a: {  	s1 =	srdreg.scid  }
0x8b: {  	s0 =	sand.u32 $0x1, s1  }
0x8c: {  	s17 =	sshll.u32 s0, $0xA;
	s2 =	sadd.s32 s3, s2  }
0x8d: {  	s2 =	sadd.s32 s2, s17  }
0x8e: {  	[smem:$0x3FC6] =	sst s2  }
0x8f: {  	_ = 	snop  }
0x90: {  	s2 =	sld [smem:$0x3FC8]  }
0x91: {  	s18 =	sld [smem:$0x3FD0];
	(tm) =	ssettm $0x1  }
0x92: {  	s4 =	sld [smem:$0x3FFB];
	_ =	sdelay $0x3  }
0x93: {  	_ =	strace s4  }
0x94: {  	s4 =	sld [smem:$0x3FFC];
	_ =	sdelay $0x3  }
0x95: {  	_ =	strace s4  }
0x96: {  	s4 =	sld [smem:$0x3FFD];
	_ =	sdelay $0x3  }
0x97: {  	_ =	strace s4  }
0x98: {  	_ =	strace $0x8FFFFFFF  }
0x99: {  	s19 =	sld [smem:$0x3FDB];
	_ =	sdelay $0x1  }
0x9a: {  	s5 =	simm.s32 $_scs_section_size  }
0x9b: {  	s6 =	simm.s32 $_size__tile_overlayer_lowered;
	s7 =	simm.s32 $_tile_overlayer_lowered  }
0x9c: {  	s22 =	simm.s32 $0x1BFF;
	s21 =	sshll.u32 s7, $0x1;
	s4 =	sadd.s32 s5, s19  }
0x9d: {  	s8 =	simm.s32 $0x0;
	s20 =	sshll.u32 s6, $0x1;
	s6 =	sadd.s32 s21, s4  }
0x9e: {  	[timem:s8], [sflag:s22] =	dma.local [hbm:s6], s20  }
0x9f: {  	_ =	swait.ge [sflag:s22], s20  }
0xa0: {  	s5 =	ssub.s32 $0x0, s20;
	[sflag:s22] =	ssyncset.done $0x0  }
0xa1: {  	[sflag:s22] =	ssyncadd.s32 s5;
	_ =	sdelay $0x1  }
0xa2: {  	s23 =	simm.s32 $0x1B8B  }
0xa3: {  	_ =	swait.ge [sflag:s23], $0x1  }
0xa4: {  	[sflag:s23] =	ssyncset.done $0x0  }
0xa5: {  	s25 =	simm.s32 $0x1B8E;
	s24 =	sld [smem:$0x3FFE];
	[sflag:s23] =	ssyncadd.s32 $0xFFFFFFFF  }
0xa6: {  	s26 =	simm.s32 $execute0_lowered;
	[smem:$0x3FD2] =	sst s25  }
0xa7: {  	s6 =	sshll.u32 s26, $0x1;
	_ =	strace $0x80000046;
	[dreg:$0x1] =	wrdreg $0xFFFFFFFF  }
0xa8: {  	s28 =	simm.s32 $_size_execute0_lowered;
	s4 =	sadd.s32 s4, s6;
	[dreg:$0x0] =	wrdreg $0x0  }
0xa9: {  	s6 =	sshll.u32 s28, $0x1;
	[dreg:$0x2] =	wrdreg s4  }
0xaa: {  	[dreg:$0x3] =	wrdreg s6  }
0xab: {  	[dreg:$0x4] =	wrdreg $0xC0  }
0xac: {  	_ =	task [dreg:s8], $0x5FFFF  }
0xad: {  	[dreg:$0x1] =	wrdreg $0xFFFFFFFF  }
0xae: {  	[dreg:$0x0] =	wrdreg $0x60  }
0xaf: {  	[dreg:$0x2] =	wrdreg s24  }
0xb0: {  	[dreg:$0x3] =	wrdreg s2  }
0xb1: {  	[dreg:$0x4] =	wrdreg s18  }
0xb2: {  	[dreg:$0x5] =	wrdreg $0x0  }
0xb3: {  	[dreg:$0x6] =	wrdreg $0x9  }
0xb4: {  	_ =	task.clear_ibuf [dreg:s8], $0x7FFFF;
	_ =	strace $0x90000046  }
0xb5: {  	s29 =	simm.s32 $0x9;
	_ =	strace $0x80000048  }
0xb6: {  	_ =	swait.ge [sflag:s29], $0x1  }
0xb7: {  	[sflag:s29] =	ssyncadd.s32 $0xFFFFFFFF  }
0xb8: {  	_ =	strace $0x90000048  }
0xb9: {  	_ =	sfence  }
0xba: {  	s30 =	sld [smem:$0x0];
	_ =	sdelay $0x2  }
0xbb: {  	s31 =	sshll.u32 s1, $0xD;
	s1 =	sshrl.u32 s1, $0x2  }
0xbc: {  	s3 =	sand.u32 $0x4000, s31;
	s1 =	sadd.s32 s1, s30  }
0xbd: {  	s0 =	sor.u32 s3, s0;
	s1 =	sshll.u32 s1, $0x11  }
0xbe: {  	s0 =	sor.u32 s1, s0  }
0xbf: {  	s0 =	sadd.s32 $0x8F2B, s0  }
0xc0: {  	[sflag:s0] =	ssyncadd.remote.s32 $0x1  }
0xc1: {  	_ =	sfence.sel $0xFFFF  }
0xc2: {  	[dreg:$0x0] =	wrdreg $0xFFFFFFFF;
	(pc) =	sbr.abs _section_cstart, $3  }
0xc3: {  	[dreg:$0x1] =	wrdreg $0xFFFFFFFF  }
0xc4: {  	_ =	task.clear_ibuf [dreg:s8], $0x2FFFF;
	_ =	strace $0x9FFFFFFF  }
0xc5: {  	(tm) =	ssettm $0x7FFFFFFF  }
tec
execute0_lowered:
.L_overlay_start_1:
0x0: {  	(tag) =	ssettag $0x1  }
0x1: {  	s1 =	rddreg [dreg:$0x0]  }
0x2: {  	s0 =	rddreg [dreg:$0x2]  }
0x3: {  	s2 =	rddreg [dreg:$0x3];
	s3 =	simm.s32 $0x0  }
0x4: {  	s4 =	srdreg.scid;
	s28 =	simm.s32 $0x48;
	s29 =	simm.s32 $0x60F0  }
0x5: {  	s30 =	simm.s32 $0x84F0;
	s5 =	sadd.s32 $0x400, s1;
	s1 =	stileid.u32  }
0x6: {  	s31 =	simm.s32 $0xC4F0;
	[smem:$0x7FF] =	sst s3;
	s9 =	smul.u32 $0x320000, s1  }
0x7: {  	s4 =	sand.u32 $0x1, s4;
	_ =	strace $0x80000047;
	s12 =	smul.u32 $0x1900000, s1  }
0x8: {  	s6 =	ssub.s32 $0x2, s4;
	s7 =	sshll.u32 s1, $0xF;
	s16 =	smul.u32 $0xC80000, s4  }
0x9: {  	s8 =	sshll.u32 s4, $0xE;
	s4 =	smul.u32 $0x190000, s4;
	p0 =	sne.s32 s1, $0x0  }
0xa: {  	s1 =	simm.s32 $0xE8F0;
	s10 =	sshrl.u32 s6, $0x1;
	s11 =	sor.u32 s8, s7  }
0xb: {  	s6 =	ssub.s32 s6, s10;
	s15 =	sadd.s32 s5, s11;
	s5 =	sadd.s32 s7, s5  }
0xc: {  	s17 =	sadd.s32 s9, s0;
	s7 =	sadd.s32 s16, s12;
	[dreg:$0x5] =	wrdreg s15  }
0xd: {  	s6 =	smax.u32 s6, $0x1;
	s5 =	sadd.s32 s8, s5;
	s4 =	sadd.s32 s4, s17  }
0xe: {  	s18 =	sor.u32 $0x5DC00, s7;
	s19 =	sor.u32 $0x57800, s7;
	s20 =	sor.u32 $0x51400, s7  }
0xf: {  	s24 =	sor.u32 $0x4B000, s7;
	s25 =	sor.u32 $0x44C00, s7;
	s26 =	sor.u32 $0x3E800, s7  }
0x10: {  	s11 =	sor.u32 $0x38400, s7;
	s12 =	sor.u32 $0x32000, s7;
	s13 =	sor.u32 $0x2BC00, s7  }
0x11: {  	s17 =	sor.u32 $0x25800, s7;
	[dreg:$0x6] =	wrdreg s6;
	s5 =	sadd.s32 $0x200, s5  }
0x12: {  	[dreg:$0x8] =	wrdreg s4;
	s4 =	sshrl.u32 s18, $0x3;
	s21 =	sshrl.u32 s19, $0x3  }
0x13: {  	s22 =	sshrl.u32 s20, $0x3;
	s8 =	sshrl.u32 s25, $0x3;
	s9 =	sshrl.u32 s26, $0x3  }
0x14: {  	s14 =	sshrl.u32 s12, $0x3;
	s15 =	sshrl.u32 s13, $0x3;
	s18 =	sor.u32 $0x1F400, s7  }
0x15: {  	s19 =	sor.u32 $0x19000, s7;
	s6 =	simm.s32 $0x18CF0;
	s12 =	simm.s32 $0x9  }
0x16: {  	[dreg:$0x7] =	wrdreg s5;
	s4 =	sadd.s32 s4, s0;
	s23 =	sadd.s32 s22, s0  }
0x17: {  	s10 =	sadd.s32 s9, s0;
	s16 =	sadd.s32 s15, s0;
	[dreg:$0x9] =	wrdreg s4  }
0x18: {  	s20 =	sshrl.u32 s18, $0x3;
	s22 =	sor.u32 $0x12C00, s7;
	[dreg:$0xb] =	wrdreg s23  }
0x19: {  	s5 =	simm.s32 $0x14CF0;
	s9 =	simm.s32 $0x5;
	[dreg:$0xe] =	wrdreg s10  }
0x1a: {  	s4 =	sadd.s32 s21, s0;
	[dreg:$0x11] =	wrdreg s16;
	s21 =	sshrl.u32 s19, $0x3  }
0x1b: {  	s18 =	sadd.s32 s20, s0;
	s23 =	sor.u32 $0xC800, s7;
	s10 =	simm.s32 $0x7  }
0x1c: {  	[dreg:$0xa] =	wrdreg s4;
	s4 =	sshrl.u32 s24, $0x3;
	s19 =	sadd.s32 s21, s0  }
0x1d: {  	s24 =	sor.u32 $0x6400, s7;
	s25 =	sshrl.u32 s23, $0x3;
	s4 =	sadd.s32 s4, s0  }
0x1e: {  	s23 =	simm.s32 $0x128F0;
	[dreg:$0xc] =	wrdreg s4;
	s4 =	sadd.s32 s8, s0  }
0x1f: {  	s7 =	simm.s32 $0x4;
	[dreg:$0xd] =	wrdreg s4;
	s4 =	sshrl.u32 s11, $0x3  }
0x20: {  	s26 =	sshrl.u32 s24, $0x3;
	s21 =	sadd.s32 s25, s0;
	s4 =	sadd.s32 s4, s0  }
0x21: {  	s24 =	simm.s32 $0x1;
	[dreg:$0xf] =	wrdreg s4;
	s4 =	sadd.s32 s14, s0  }
.Ltmp0:
0x22: {  	[dreg:$0x10] =	wrdreg s4;
	s4 =	sshrl.u32 s17, $0x3;
	(pc) =	sbr.rel .LBB2_1-.Ltmp0, $4  }
0x23: {  	s25 =	simm.s32 $0x80;
	s8 =	simm.s32 $0x6;
	s4 =	sadd.s32 s4, s0  }
0x24: {  	s11 =	simm.s32 $0x8;
	s14 =	simm.s32 $0x0;
	[dreg:$0x12] =	wrdreg s4  }
0x25: {  	s4 =	sshrl.u32 s22, $0x3;
	s22 =	sadd.s32 s26, s0;
	s26 =	simm.s32 $0x20F0  }
0x26: {  	s20 =	sadd.s32 s4, s0;
	s0 =	simm.s32 $0x2;
	s4 =	simm.s32 $0x3  }
.LBB2_4:
0x27: {  	_ =	swait.ge [sflag:s8], $0x6400  }
0x28: {  	[sflag:s8] =	ssyncset.done $0x0  }
0x29: {  	[sflag:s8] =	ssyncadd.s32 $0xFFFF9C00  }
0x2a: {  	_ =	swait.ge [sflag:s10], $0x6400  }
0x2b: {  	[sflag:s10] =	ssyncset.done $0x0  }
0x2c: {  	[sflag:s10] =	ssyncadd.s32 $0xFFFF9C00  }
0x2d: {  	_ =	swait.ge [sflag:s11], $0x6400  }
0x2e: {  	[sflag:s11] =	ssyncset.done $0x0  }
0x2f: {  	[sflag:s11] =	ssyncadd.s32 $0xFFFF9C00  }
0x30: {  	_ =	swait.ge [sflag:s12], $0x6400  }
0x31: {  	s14 =	rddreg [dreg:$0x13]  }
0x32: {  	s13 =	rddreg [dreg:$0x6];
	s14 =	sadd.s32 $0x1, s14  }
0x33: {  	p1 =	sne.s32 s14, s13  }
.Ltmp1:
0x34: {  	_ = 	snop;
	(pc) =	sbr.rel @!p1 .LBB2_5-.Ltmp1, $3  }
0x35: {  	_ =	sdelay $0x1  }
0x36: {  	[sflag:s12] =	ssyncset.done $0x0  }
0x37: {  	[sflag:s12] =	ssyncadd.s32 $0xFFFF9C00  }
.LBB2_1:
0x38: {  	[dreg:$0x13] =	wrdreg s14  }
0x39: {  	s13 =	sshrl.u32 @!p0 s2, $0x3;
	s14 =	simm.s32 @!p0 $0x1C0A;
	s15 =	rddreg [dreg:$0x1]  }
0x3a: {  	[spmem:s13], [sflag:s14] =	dma.local @!p0 [hbm:s15], $0x1E0  }
0x3b: {  	s13 =	simm.s32 @!p0 $0xA  }
0x3c: {  	_ =	swait.ge @!p0 [sflag:s13], $0x1E0  }
0x3d: {  	[sflag:s13] =	ssyncset.done @!p0 $0x0  }
0x3e: {  	[sflag:s13] =	ssyncadd.s32 @!p0 $0xFFFFFE20  }
0x3f: {  	[bflag:$0x0] =	sbarrier.arrive $0xFFFF  }
0x40: {  	s17 =	simm.s32 $0xF0;
	s16 =	rddreg [dreg:$0x5]  }
0x41: {  	s15 =	simm.s32 $0x0;
	s13 =	simm.s32 $0x0;
	s14 =	rddreg [dreg:$0x7]  }
0x42: {  	[tilespmem:s17], [sflag:$0x1] =	stream.linear.gather [hbm4b:s16+s3], $0x1000, $0x38;
	[tilespmem:$0x1B0F0] =	vst v63  }
.LBB2_2:
0x43: {  	_ =	swait.ge [sflag:s24], $0x1000  }
0x44: {  	p1 =	seq.s32 s15, $0x0;
	[sflag:s24] =	ssyncset.done $0x0  }
0x45: {  	s17 =	simm.s32 @!p1 $0x6;
	[sflag:s24] =	ssyncadd.s32 $0xFFFFF000  }
0x46: {  	_ =	swait.ge @!p1 [sflag:s17], $0x6400  }
0x47: {  	s16 =	sand.u32 $0x1000, s13;
	[sflag:s17] =	ssyncset.done @!p1 $0x0  }
0x48: {  	[sflag:s17] =	ssyncadd.s32 @!p1 $0xFFFF9C00;
	s17 =	sor.u32 $0xF0, s16  }
0x49: {  	[tilespmem:s26], [sflag:$0x2] =	stream.indirect.gather [spmem:s2], $0x80, s17, s25, $0xb8;
	[tilespmem:$0x1B0F0] =	vst v63  }
0x4a: {  	s17 =	sor.u32 $0x4F0, s16  }
0x4b: {  	[tilespmem:s29], [sflag:$0x2] =	stream.indirect.gather [spmem:s2], $0x80, s17, s28, $0xb8;
	[tilespmem:$0x1B0F0] =	vst v63  }
0x4c: {  	s17 =	simm.s32 @!p1 $0x7  }
0x4d: {  	_ =	swait.ge @!p1 [sflag:s17], $0x6400  }
0x4e: {  	[sflag:s17] =	ssyncset.done @!p1 $0x0  }
0x4f: {  	[sflag:s17] =	ssyncadd.s32 @!p1 $0xFFFF9C00;
	s17 =	sadd.s32 $0x170, s16  }
0x50: {  	[tilespmem:s30], [sflag:$0x3] =	stream.indirect.gather [spmem:s2], $0x80, s17, s25, $0xb8;
	[tilespmem:$0x1B0F0] =	vst v63  }
0x51: {  	s17 =	sadd.s32 $0x570, s16  }
0x52: {  	[tilespmem:s31], [sflag:$0x3] =	stream.indirect.gather [spmem:s2], $0x80, s17, s28, $0xb8;
	[tilespmem:$0x1B0F0] =	vst v63  }
0x53: {  	_ =	swait.ge [sflag:s0], $0x4000  }
0x54: {  	[sflag:s0] =	ssyncset.done $0x0  }
0x55: {  	[sflag:s0] =	ssyncadd.s32 $0xFFFFC000  }
0x56: {  	_ =	swait.ge [sflag:s0], $0x2400  }
0x57: {  	[sflag:s0] =	ssyncset.done $0x0;
	s17 =	rddreg [dreg:$0x8]  }
0x58: {  	[sflag:s0] =	ssyncadd.s32 $0xFFFFDC00;
	s17 =	sadd.s32 s15, s17  }
0x59: {  	[hbm4b:s17+s3] =	stream.linear.scatter [tilespmem:s26], [sflag:$0x6], $0x6400, $0x38;
	[tilespmem:$0x1B0F0] =	vst v63  }
0x5a: {  	s17 =	simm.s32 @!p1 $0x8  }
0x5b: {  	_ =	swait.ge @!p1 [sflag:s17], $0x6400  }
0x5c: {  	[sflag:s17] =	ssyncset.done @!p1 $0x0  }
0x5d: {  	[sflag:s17] =	ssyncadd.s32 @!p1 $0xFFFF9C00;
	s17 =	sadd.s32 $0x1F0, s16  }
0x5e: {  	[tilespmem:s1], [sflag:$0x4] =	stream.indirect.gather [spmem:s2], $0x80, s17, s25, $0xb8;
	[tilespmem:$0x1B0F0] =	vst v63  }
0x5f: {  	s17 =	sadd.s32 $0x5F0, s16  }
0x60: {  	[tilespmem:s23], [sflag:$0x4] =	stream.indirect.gather [spmem:s2], $0x80, s17, s28, $0xb8;
	[tilespmem:$0x1B0F0] =	vst v63  }
0x61: {  	_ =	swait.ge [sflag:s4], $0x4000  }
0x62: {  	[sflag:s4] =	ssyncset.done $0x0  }
0x63: {  	[sflag:s4] =	ssyncadd.s32 $0xFFFFC000  }
0x64: {  	_ =	swait.ge [sflag:s4], $0x2400  }
0x65: {  	[sflag:s4] =	ssyncset.done $0x0  }
0x66: {  	s17 =	sadd.s32 s15, s22;
	[sflag:s4] =	ssyncadd.s32 $0xFFFFDC00  }
0x67: {  	[hbm4b:s17+s3] =	stream.linear.scatter [tilespmem:s30], [sflag:$0x7], $0x6400, $0x38;
	[tilespmem:$0x1B0F0] =	vst v63  }
0x68: {  	s17 =	simm.s32 @!p1 $0x9  }
0x69: {  	_ =	swait.ge @!p1 [sflag:s17], $0x6400  }
0x6a: {  	[sflag:s17] =	ssyncset.done @!p1 $0x0  }
0x6b: {  	[sflag:s17] =	ssyncadd.s32 @!p1 $0xFFFF9C00;
	s17 =	sadd.s32 $0x270, s16  }
0x6c: {  	[tilespmem:s5], [sflag:$0x5] =	stream.indirect.gather [spmem:s2], $0x80, s17, s25, $0xb8;
	[tilespmem:$0x1B0F0] =	vst v63  }
0x6d: {  	s17 =	sadd.s32 $0x670, s16  }
0x6e: {  	[tilespmem:s6], [sflag:$0x5] =	stream.indirect.gather [spmem:s2], $0x80, s17, s28, $0xb8;
	[tilespmem:$0x1B0F0] =	vst v63  }
0x6f: {  	_ =	swait.ge [sflag:s7], $0x4000  }
0x70: {  	[sflag:s7] =	ssyncset.done $0x0  }
0x71: {  	[sflag:s7] =	ssyncadd.s32 $0xFFFFC000  }
0x72: {  	_ =	swait.ge [sflag:s7], $0x2400  }
0x73: {  	[sflag:s7] =	ssyncset.done $0x0  }
0x74: {  	s17 =	sadd.s32 s15, s21;
	[sflag:s7] =	ssyncadd.s32 $0xFFFFDC00  }
0x75: {  	[hbm4b:s17+s3] =	stream.linear.scatter [tilespmem:s1], [sflag:$0x8], $0x6400, $0x38;
	[tilespmem:$0x1B0F0] =	vst v63  }
0x76: {  	_ =	swait.ge [sflag:s8], $0x6400  }
0x77: {  	[sflag:s8] =	ssyncset.done $0x0  }
0x78: {  	s17 =	sadd.s32 $0x2F0, s16;
	[sflag:s8] =	ssyncadd.s32 $0xFFFF9C00  }
0x79: {  	[tilespmem:s26], [sflag:$0x2] =	stream.indirect.gather [spmem:s2], $0x80, s17, s25, $0xb8;
	[tilespmem:$0x1B0F0] =	vst v63  }
0x7a: {  	s17 =	sadd.s32 $0x6F0, s16  }
0x7b: {  	[tilespmem:s29], [sflag:$0x2] =	stream.indirect.gather [spmem:s2], $0x80, s17, s28, $0xb8;
	[tilespmem:$0x1B0F0] =	vst v63  }
0x7c: {  	_ =	swait.ge [sflag:s9], $0x4000  }
0x7d: {  	[sflag:s9] =	ssyncset.done $0x0  }
0x7e: {  	[sflag:s9] =	ssyncadd.s32 $0xFFFFC000  }
0x7f: {  	_ =	swait.ge [sflag:s9], $0x2400  }
0x80: {  	[sflag:s9] =	ssyncset.done $0x0  }
0x81: {  	s17 =	sadd.s32 s15, s20;
	[sflag:s9] =	ssyncadd.s32 $0xFFFFDC00  }
0x82: {  	[hbm4b:s17+s3] =	stream.linear.scatter [tilespmem:s5], [sflag:$0x9], $0x6400, $0x38;
	[tilespmem:$0x1B0F0] =	vst v63  }
0x83: {  	_ =	swait.ge [sflag:s10], $0x6400  }
0x84: {  	[sflag:s10] =	ssyncset.done $0x0  }
0x85: {  	s17 =	sadd.s32 $0x370, s16;
	[sflag:s10] =	ssyncadd.s32 $0xFFFF9C00  }
0x86: {  	[tilespmem:s30], [sflag:$0x3] =	stream.indirect.gather [spmem:s2], $0x80, s17, s25, $0xb8;
	[tilespmem:$0x1B0F0] =	vst v63  }
0x87: {  	s17 =	sadd.s32 $0x770, s16  }
0x88: {  	[tilespmem:s31], [sflag:$0x3] =	stream.indirect.gather [spmem:s2], $0x80, s17, s28, $0xb8;
	[tilespmem:$0x1B0F0] =	vst v63  }
0x89: {  	_ =	swait.ge [sflag:s0], $0x4000  }
0x8a: {  	[sflag:s0] =	ssyncset.done $0x0  }
0x8b: {  	[sflag:s0] =	ssyncadd.s32 $0xFFFFC000  }
0x8c: {  	_ =	swait.ge [sflag:s0], $0x2400  }
0x8d: {  	[sflag:s0] =	ssyncset.done $0x0  }
0x8e: {  	s17 =	sadd.s32 s15, s19;
	[sflag:s0] =	ssyncadd.s32 $0xFFFFDC00  }
0x8f: {  	[hbm4b:s17+s3] =	stream.linear.scatter [tilespmem:s26], [sflag:$0x6], $0x6400, $0x38;
	[tilespmem:$0x1B0F0] =	vst v63  }
0x90: {  	_ =	swait.ge [sflag:s11], $0x6400  }
0x91: {  	[sflag:s11] =	ssyncset.done $0x0  }
0x92: {  	s17 =	sadd.s32 $0x3F0, s16;
	[sflag:s11] =	ssyncadd.s32 $0xFFFF9C00  }
0x93: {  	[tilespmem:s1], [sflag:$0x4] =	stream.indirect.gather [spmem:s2], $0x80, s17, s25, $0xb8;
	[tilespmem:$0x1B0F0] =	vst v63  }
0x94: {  	s17 =	sadd.s32 $0x7F0, s16  }
0x95: {  	[tilespmem:s23], [sflag:$0x4] =	stream.indirect.gather [spmem:s2], $0x80, s17, s28, $0xb8;
	[tilespmem:$0x1B0F0] =	vst v63  }
0x96: {  	_ =	swait.ge [sflag:s4], $0x4000  }
0x97: {  	[sflag:s4] =	ssyncset.done $0x0  }
0x98: {  	[sflag:s4] =	ssyncadd.s32 $0xFFFFC000  }
0x99: {  	_ =	swait.ge [sflag:s4], $0x2400  }
0x9a: {  	[sflag:s4] =	ssyncset.done $0x0  }
0x9b: {  	s17 =	sadd.s32 s15, s18;
	[sflag:s4] =	ssyncadd.s32 $0xFFFFDC00  }
0x9c: {  	[hbm4b:s17+s3] =	stream.linear.scatter [tilespmem:s30], [sflag:$0x7], $0x6400, $0x38;
	[tilespmem:$0x1B0F0] =	vst v63  }
0x9d: {  	_ =	swait.ge [sflag:s12], $0x6400  }
0x9e: {  	[sflag:s12] =	ssyncset.done $0x0  }
0x9f: {  	s17 =	sadd.s32 $0x470, s16;
	[sflag:s12] =	ssyncadd.s32 $0xFFFF9C00  }
0xa0: {  	[tilespmem:s5], [sflag:$0x5] =	stream.indirect.gather [spmem:s2], $0x80, s17, s25, $0xb8;
	[tilespmem:$0x1B0F0] =	vst v63  }
0xa1: {  	s17 =	sadd.s32 $0x870, s16  }
0xa2: {  	[tilespmem:s6], [sflag:$0x5] =	stream.indirect.gather [spmem:s2], $0x80, s17, s28, $0xb8;
	[tilespmem:$0x1B0F0] =	vst v63  }
0xa3: {  	_ =	swait.ge [sflag:s7], $0x4000  }
0xa4: {  	[sflag:s7] =	ssyncset.done $0x0  }
0xa5: {  	[sflag:s7] =	ssyncadd.s32 $0xFFFFC000  }
0xa6: {  	_ =	swait.ge [sflag:s7], $0x2400  }
0xa7: {  	[sflag:s7] =	ssyncset.done $0x0;
	s17 =	rddreg [dreg:$0x12]  }
0xa8: {  	[sflag:s7] =	ssyncadd.s32 $0xFFFFDC00;
	s17 =	sadd.s32 s15, s17  }
0xa9: {  	[hbm4b:s17+s3] =	stream.linear.scatter [tilespmem:s1], [sflag:$0x8], $0x6400, $0x38;
	[tilespmem:$0x1B0F0] =	vst v63  }
0xaa: {  	_ =	swait.ge [sflag:s8], $0x6400  }
0xab: {  	[sflag:s8] =	ssyncset.done $0x0  }
0xac: {  	s17 =	sadd.s32 $0x8F0, s16;
	[sflag:s8] =	ssyncadd.s32 $0xFFFF9C00  }
0xad: {  	[tilespmem:s26], [sflag:$0x2] =	stream.indirect.gather [spmem:s2], $0x80, s17, s25, $0xb8;
	[tilespmem:$0x1B0F0] =	vst v63  }
0xae: {  	s17 =	sadd.s32 $0xCF0, s16  }
0xaf: {  	[tilespmem:s29], [sflag:$0x2] =	stream.indirect.gather [spmem:s2], $0x80, s17, s28, $0xb8;
	[tilespmem:$0x1B0F0] =	vst v63  }
0xb0: {  	_ =	swait.ge [sflag:s9], $0x4000  }
0xb1: {  	[sflag:s9] =	ssyncset.done $0x0  }
0xb2: {  	[sflag:s9] =	ssyncadd.s32 $0xFFFFC000  }
0xb3: {  	_ =	swait.ge [sflag:s9], $0x2400  }
0xb4: {  	[sflag:s9] =	ssyncset.done $0x0;
	s17 =	rddreg [dreg:$0x11]  }
0xb5: {  	[sflag:s9] =	ssyncadd.s32 $0xFFFFDC00;
	s17 =	sadd.s32 s15, s17  }
0xb6: {  	[hbm4b:s17+s3] =	stream.linear.scatter [tilespmem:s5], [sflag:$0x9], $0x6400, $0x38;
	[tilespmem:$0x1B0F0] =	vst v63  }
0xb7: {  	_ =	swait.ge [sflag:s10], $0x6400  }
0xb8: {  	[sflag:s10] =	ssyncset.done $0x0  }
0xb9: {  	s17 =	sadd.s32 $0x970, s16;
	[sflag:s10] =	ssyncadd.s32 $0xFFFF9C00  }
0xba: {  	[tilespmem:s30], [sflag:$0x3] =	stream.indirect.gather [spmem:s2], $0x80, s17, s25, $0xb8;
	[tilespmem:$0x1B0F0] =	vst v63  }
0xbb: {  	s17 =	sadd.s32 $0xD70, s16  }
0xbc: {  	[tilespmem:s31], [sflag:$0x3] =	stream.indirect.gather [spmem:s2], $0x80, s17, s28, $0xb8;
	[tilespmem:$0x1B0F0] =	vst v63  }
0xbd: {  	_ =	swait.ge [sflag:s0], $0x4000  }
0xbe: {  	[sflag:s0] =	ssyncset.done $0x0  }
0xbf: {  	[sflag:s0] =	ssyncadd.s32 $0xFFFFC000  }
0xc0: {  	_ =	swait.ge [sflag:s0], $0x2400  }
0xc1: {  	[sflag:s0] =	ssyncset.done $0x0;
	s17 =	rddreg [dreg:$0x10]  }
0xc2: {  	[sflag:s0] =	ssyncadd.s32 $0xFFFFDC00;
	s17 =	sadd.s32 s15, s17  }
0xc3: {  	[hbm4b:s17+s3] =	stream.linear.scatter [tilespmem:s26], [sflag:$0x6], $0x6400, $0x38;
	[tilespmem:$0x1B0F0] =	vst v63  }
0xc4: {  	_ =	swait.ge [sflag:s11], $0x6400  }
0xc5: {  	[sflag:s11] =	ssyncset.done $0x0  }
0xc6: {  	s17 =	sadd.s32 $0x9F0, s16;
	[sflag:s11] =	ssyncadd.s32 $0xFFFF9C00  }
0xc7: {  	[tilespmem:s1], [sflag:$0x4] =	stream.indirect.gather [spmem:s2], $0x80, s17, s25, $0xb8;
	[tilespmem:$0x1B0F0] =	vst v63  }
0xc8: {  	s17 =	sadd.s32 $0xDF0, s16  }
0xc9: {  	[tilespmem:s23], [sflag:$0x4] =	stream.indirect.gather [spmem:s2], $0x80, s17, s28, $0xb8;
	[tilespmem:$0x1B0F0] =	vst v63  }
0xca: {  	_ =	swait.ge [sflag:s4], $0x4000  }
0xcb: {  	[sflag:s4] =	ssyncset.done $0x0  }
0xcc: {  	[sflag:s4] =	ssyncadd.s32 $0xFFFFC000  }
0xcd: {  	_ =	swait.ge [sflag:s4], $0x2400  }
0xce: {  	[sflag:s4] =	ssyncset.done $0x0;
	s17 =	rddreg [dreg:$0xf]  }
0xcf: {  	[sflag:s4] =	ssyncadd.s32 $0xFFFFDC00;
	s17 =	sadd.s32 s15, s17  }
0xd0: {  	[hbm4b:s17+s3] =	stream.linear.scatter [tilespmem:s30], [sflag:$0x7], $0x6400, $0x38;
	[tilespmem:$0x1B0F0] =	vst v63  }
0xd1: {  	_ =	swait.ge [sflag:s12], $0x6400  }
0xd2: {  	[sflag:s12] =	ssyncset.done $0x0  }
0xd3: {  	s17 =	sadd.s32 $0xA70, s16;
	[sflag:s12] =	ssyncadd.s32 $0xFFFF9C00  }
0xd4: {  	[tilespmem:s5], [sflag:$0x5] =	stream.indirect.gather [spmem:s2], $0x80, s17, s25, $0xb8;
	[tilespmem:$0x1B0F0] =	vst v63  }
0xd5: {  	s17 =	sadd.s32 $0xE70, s16  }
0xd6: {  	[tilespmem:s6], [sflag:$0x5] =	stream.indirect.gather [spmem:s2], $0x80, s17, s28, $0xb8;
	[tilespmem:$0x1B0F0] =	vst v63  }
0xd7: {  	_ =	swait.ge [sflag:s7], $0x4000  }
0xd8: {  	[sflag:s7] =	ssyncset.done $0x0  }
0xd9: {  	[sflag:s7] =	ssyncadd.s32 $0xFFFFC000  }
0xda: {  	_ =	swait.ge [sflag:s7], $0x2400  }
0xdb: {  	[sflag:s7] =	ssyncset.done $0x0;
	s17 =	rddreg [dreg:$0xe]  }
0xdc: {  	[sflag:s7] =	ssyncadd.s32 $0xFFFFDC00;
	s17 =	sadd.s32 s15, s17  }
0xdd: {  	[hbm4b:s17+s3] =	stream.linear.scatter [tilespmem:s1], [sflag:$0x8], $0x6400, $0x38;
	[tilespmem:$0x1B0F0] =	vst v63  }
0xde: {  	_ =	swait.ge [sflag:s8], $0x6400  }
0xdf: {  	[sflag:s8] =	ssyncset.done $0x0  }
0xe0: {  	s17 =	sadd.s32 $0xAF0, s16;
	[sflag:s8] =	ssyncadd.s32 $0xFFFF9C00  }
0xe1: {  	[tilespmem:s26], [sflag:$0x2] =	stream.indirect.gather [spmem:s2], $0x80, s17, s25, $0xb8;
	[tilespmem:$0x1B0F0] =	vst v63  }
0xe2: {  	s17 =	sadd.s32 $0xEF0, s16  }
0xe3: {  	[tilespmem:s29], [sflag:$0x2] =	stream.indirect.gather [spmem:s2], $0x80, s17, s28, $0xb8;
	[tilespmem:$0x1B0F0] =	vst v63  }
0xe4: {  	_ =	swait.ge [sflag:s9], $0x4000  }
0xe5: {  	[sflag:s9] =	ssyncset.done $0x0  }
0xe6: {  	[sflag:s9] =	ssyncadd.s32 $0xFFFFC000  }
0xe7: {  	_ =	swait.ge [sflag:s9], $0x2400  }
0xe8: {  	[sflag:s9] =	ssyncset.done $0x0;
	s17 =	rddreg [dreg:$0xd]  }
0xe9: {  	[sflag:s9] =	ssyncadd.s32 $0xFFFFDC00;
	s17 =	sadd.s32 s15, s17  }
0xea: {  	[hbm4b:s17+s3] =	stream.linear.scatter [tilespmem:s5], [sflag:$0x9], $0x6400, $0x38;
	[tilespmem:$0x1B0F0] =	vst v63  }
0xeb: {  	_ =	swait.ge [sflag:s10], $0x6400  }
0xec: {  	[sflag:s10] =	ssyncset.done $0x0  }
0xed: {  	s17 =	sadd.s32 $0xB70, s16;
	[sflag:s10] =	ssyncadd.s32 $0xFFFF9C00  }
0xee: {  	[tilespmem:s30], [sflag:$0x3] =	stream.indirect.gather [spmem:s2], $0x80, s17, s25, $0xb8;
	[tilespmem:$0x1B0F0] =	vst v63  }
0xef: {  	s17 =	sadd.s32 $0xF70, s16  }
0xf0: {  	[tilespmem:s31], [sflag:$0x3] =	stream.indirect.gather [spmem:s2], $0x80, s17, s28, $0xb8;
	[tilespmem:$0x1B0F0] =	vst v63  }
0xf1: {  	_ =	swait.ge [sflag:s0], $0x4000  }
0xf2: {  	[sflag:s0] =	ssyncset.done $0x0  }
0xf3: {  	[sflag:s0] =	ssyncadd.s32 $0xFFFFC000  }
0xf4: {  	_ =	swait.ge [sflag:s0], $0x2400  }
0xf5: {  	[sflag:s0] =	ssyncset.done $0x0;
	s17 =	rddreg [dreg:$0xc]  }
0xf6: {  	[sflag:s0] =	ssyncadd.s32 $0xFFFFDC00;
	s17 =	sadd.s32 s15, s17  }
0xf7: {  	[hbm4b:s17+s3] =	stream.linear.scatter [tilespmem:s26], [sflag:$0x6], $0x6400, $0x38;
	[tilespmem:$0x1B0F0] =	vst v63  }
0xf8: {  	_ =	swait.ge [sflag:s11], $0x6400  }
0xf9: {  	[sflag:s11] =	ssyncset.done $0x0  }
0xfa: {  	s17 =	sadd.s32 $0xBF0, s16;
	[sflag:s11] =	ssyncadd.s32 $0xFFFF9C00  }
0xfb: {  	[tilespmem:s1], [sflag:$0x4] =	stream.indirect.gather [spmem:s2], $0x80, s17, s25, $0xb8;
	[tilespmem:$0x1B0F0] =	vst v63  }
0xfc: {  	s17 =	sadd.s32 $0xFF0, s16  }
0xfd: {  	[tilespmem:s23], [sflag:$0x4] =	stream.indirect.gather [spmem:s2], $0x80, s17, s28, $0xb8;
	[tilespmem:$0x1B0F0] =	vst v63  }
0xfe: {  	_ =	swait.ge [sflag:s4], $0x4000  }
0xff: {  	[sflag:s4] =	ssyncset.done $0x0  }
0x100: {  	[sflag:s4] =	ssyncadd.s32 $0xFFFFC000  }
0x101: {  	_ =	swait.ge [sflag:s4], $0x2400  }
0x102: {  	[sflag:s4] =	ssyncset.done $0x0;
	s17 =	rddreg [dreg:$0xb]  }
0x103: {  	[sflag:s4] =	ssyncadd.s32 $0xFFFFDC00;
	s17 =	sadd.s32 s15, s17  }
0x104: {  	[hbm4b:s17+s3] =	stream.linear.scatter [tilespmem:s30], [sflag:$0x7], $0x6400, $0x38;
	[tilespmem:$0x1B0F0] =	vst v63  }
0x105: {  	_ =	swait.ge [sflag:s12], $0x6400  }
0x106: {  	[sflag:s12] =	ssyncset.done $0x0  }
0x107: {  	s17 =	sadd.s32 $0xC70, s16;
	[sflag:s12] =	ssyncadd.s32 $0xFFFF9C00  }
0x108: {  	[tilespmem:s5], [sflag:$0x5] =	stream.indirect.gather [spmem:s2], $0x80, s17, s25, $0xb8;
	[tilespmem:$0x1B0F0] =	vst v63  }
0x109: {  	s17 =	sadd.s32 $0x1070, s16  }
0x10a: {  	[tilespmem:s6], [sflag:$0x5] =	stream.indirect.gather [spmem:s2], $0x80, s17, s28, $0xb8;
	[tilespmem:$0x1B0F0] =	vst v63  }
0x10b: {  	_ =	swait.ge [sflag:s7], $0x4000  }
0x10c: {  	[sflag:s7] =	ssyncset.done $0x0  }
0x10d: {  	[sflag:s7] =	ssyncadd.s32 $0xFFFFC000  }
0x10e: {  	_ =	swait.ge [sflag:s7], $0x2400  }
0x10f: {  	[sflag:s7] =	ssyncset.done $0x0;
	s17 =	rddreg [dreg:$0xa]  }
0x110: {  	[sflag:s7] =	ssyncadd.s32 $0xFFFFDC00;
	s17 =	sadd.s32 s15, s17  }
0x111: {  	[hbm4b:s17+s3] =	stream.linear.scatter [tilespmem:s1], [sflag:$0x8], $0x6400, $0x38;
	[tilespmem:$0x1B0F0] =	vst v63  }
0x112: {  	_ =	swait.ge [sflag:s9], $0x4000  }
0x113: {  	p1 =	seq.s32 s15, $0x183800;
	[sflag:s9] =	ssyncset.done $0x0  }
.Ltmp2:
0x114: {  	[sflag:s9] =	ssyncadd.s32 $0xFFFFC000;
	(pc) =	sbr.rel @p1 .LBB2_4-.Ltmp2, $4  }
0x115: {  	_ =	swait.ge [sflag:s9], $0x2400  }
0x116: {  	[sflag:s9] =	ssyncset.done $0x0;
	s17 =	rddreg [dreg:$0x9]  }
0x117: {  	[sflag:s9] =	ssyncadd.s32 $0xFFFFDC00;
	s17 =	sadd.s32 s15, s17  }
0x118: {  	[hbm4b:s17+s3] =	stream.linear.scatter [tilespmem:s5], [sflag:$0x9], $0x6400, $0x38;
	[tilespmem:$0x1B0F0] =	vst v63  }
.Ltmp3:
0x119: {  	(pc) =	sbr.rel .LBB2_2-.Ltmp3, $4  }
0x11a: {  	_ = 	snop  }
0x11b: {  	s16 =	ssub.s32 $0x10F0, s16  }
0x11c: {  	[tilespmem:s16], [sflag:$0x1] =	stream.linear.gather [hbm4b:s14+s3], $0x1000, $0x38;
	[tilespmem:$0x1B0F0] =	vst v63  }
0x11d: {  	s15 =	sadd.s32 $0xC800, s15;
	s13 =	sadd.s32 $0x1000, s13;
	s14 =	sadd.s32 $0x200, s14  }
.LBB2_5:
0x11e: {  	_ =	sfence.sel $0x180000  }
0x11f: {  	[bflag:$0x0] =	sbarrier.arrive $0xFFFF  }
0x120: {  	_ =	strace $0x90000047  }
0x121: {  	[bflag:$0x2] =	sbarrier.arrive $0xFFFF  }
0x122: {  	s0 =	rddreg [dreg:$0x4]  }
0x123: {  	s0 =	sadd.s32 @!p0 $0x100000, s0  }
0x124: {  	[sflag:s0] =	ssyncadd.tile.s32 @!p0 $0x1;
	_ =	shalt  }
.Lfunc_end2:
_tile_overlayer_lowered:
.L_overlay_start_2:
0x125: {  	(tag) =	ssettag $0x2  }
0x126: {  	s0 =	rddreg [dreg:$0x0];
	s2 =	stileid.u32  }
0x127: {  	s1 =	rddreg [dreg:$0x1];
	p0 =	sne.s32 s2, $0x0  }
0x128: {  	s3 =	rddreg [dreg:$0x2];
	[bflag:$0x3] =	sbarrier.arrive $0xFFFF;
	s2 =	simm.s32 @!p0 $0x1C0A  }
0x129: {  	[timem:s3], [sflag:s2] =	dma.local @!p0 [hbm:s0], s1  }
0x12a: {  	s0 =	simm.s32 @!p0 $0xA  }
0x12b: {  	_ =	swait.ge @!p0 [sflag:s0], s1  }
0x12c: {  	s1 =	ssub.s32 @!p0 $0x0, s1;
	[sflag:s0] =	ssyncset.done @!p0 $0x0  }
0x12d: {  	[sflag:s0] =	ssyncadd.s32 @!p0 s1  }
0x12e: {  	[bflag:$0x3] =	sbarrier.arrive $0xFFFF  }
0x12f: {  	_ =	shalt  }

</sc_bundles>
